<compile_context>
chip_gen: v7x
topology: tpu7x:2x2x1
jax: 0.10.2.dev20260603
libtpu: 0.0.44.dev20260713+nightly
codegen_flags: <defaults>
</compile_context>

<pallas_src>
import functools

import jax
import jax.numpy as jnp
from jax import lax
from jax.experimental import pallas as pl
from jax.experimental.pallas import tpu as pltpu
from jax.experimental.pallas import tpu_sc as plsc

_B, _T, _D, _M = 16, 256, 256, 1024
_N = _B * _T
_R = 1024
_OFFS = (_D, 0, 2 * _D)


def _tc_body(emb_ref, en_ref, xa_ref, xna_ref, xv_ref, xnv_ref, xt_ref, xnt_ref,
             ia_ref, qa_ref, iv_ref, qv_ref, it_ref, qt_ref):
    emb = emb_ref[...]
    triples = ((xa_ref, xna_ref, ia_ref, qa_ref),
               (xv_ref, xnv_ref, iv_ref, qv_ref),
               (xt_ref, xnt_ref, it_ref, qt_ref))
    iota = lax.broadcasted_iota(jnp.int32, (_M, _R), 0)
    for m, (x_ref, xn_ref, i_ref, q_ref) in enumerate(triples):
        x = x_ref[...]
        e = emb[:, _OFFS[m]:_OFFS[m] + _D]
        xe = lax.dot_general(e, x, (((1,), (1,)), ((), ())),
                             preferred_element_type=jnp.float32)
        dist = (en_ref[:, m:m + 1] + xn_ref[...]) - 2.0 * xe
        mn = jnp.min(dist, axis=0, keepdims=True)
        idx = jnp.min(jnp.where(dist == mn, iota, _M), axis=0, keepdims=True)
        i_ref[...] = idx
        onehot = (iota == idx).astype(jnp.float32)
        g = lax.dot_general(onehot, e, (((0,), (0,)), ((), ())),
                            preferred_element_type=jnp.float32)
        q_ref[...] = x + (g - x)


_tc_call = pl.pallas_call(
    _tc_body,
    grid=(_N // _R,),
    in_specs=[
        pl.BlockSpec((_M, 3 * _D), lambda i: (0, 0)),
        pl.BlockSpec((_M, 3), lambda i: (0, 0)),
        pl.BlockSpec((_R, _D), lambda i: (i, 0)),
        pl.BlockSpec((1, _R), lambda i: (0, i)),
        pl.BlockSpec((_R, _D), lambda i: (i, 0)),
        pl.BlockSpec((1, _R), lambda i: (0, i)),
        pl.BlockSpec((_R, _D), lambda i: (i, 0)),
        pl.BlockSpec((1, _R), lambda i: (0, i)),
    ],
    out_specs=[
        pl.BlockSpec((1, _R), lambda i: (0, i)),
        pl.BlockSpec((_R, _D), lambda i: (i, 0)),
        pl.BlockSpec((1, _R), lambda i: (0, i)),
        pl.BlockSpec((_R, _D), lambda i: (i, 0)),
        pl.BlockSpec((1, _R), lambda i: (0, i)),
        pl.BlockSpec((_R, _D), lambda i: (i, 0)),
    ],
    out_shape=[
        jax.ShapeDtypeStruct((1, _N), jnp.int32),
        jax.ShapeDtypeStruct((_N, _D), jnp.float32),
        jax.ShapeDtypeStruct((1, _N), jnp.int32),
        jax.ShapeDtypeStruct((_N, _D), jnp.float32),
        jax.ShapeDtypeStruct((1, _N), jnp.int32),
        jax.ShapeDtypeStruct((_N, _D), jnp.float32),
    ],
)

_SC_CHUNK = 128


def _sc_gather_body(emb_hbm, ia_hbm, iv_hbm, it_hbm,
                    oa_hbm, ov_hbm, ot_hbm, idx_v, rows_v, sem):
    wid = lax.axis_index("s") * 2 + lax.axis_index("c")
    base = wid * _SC_CHUNK
    for idx_hbm, out_hbm in ((ia_hbm, oa_hbm), (iv_hbm, ov_hbm), (it_hbm, ot_hbm)):
        pltpu.sync_copy(idx_hbm.at[pl.ds(base, _SC_CHUNK)], idx_v)
        pltpu.async_copy(emb_hbm.at[idx_v], rows_v, sem).wait()
        pltpu.sync_copy(rows_v, out_hbm.at[pl.ds(base, _SC_CHUNK)])


def _make_sc_gather():
    return functools.partial(
        pl.kernel,
        out_type=(
            jax.ShapeDtypeStruct((_N, 3 * _D), jnp.float32),
            jax.ShapeDtypeStruct((_N, 3 * _D), jnp.float32),
            jax.ShapeDtypeStruct((_N, 3 * _D), jnp.float32),
        ),
        mesh=plsc.VectorSubcoreMesh(core_axis_name="c", subcore_axis_name="s"),
        scratch_types=[
            pltpu.VMEM((_SC_CHUNK,), jnp.int32),
            pltpu.VMEM((_SC_CHUNK, 3 * _D), jnp.float32),
            pltpu.SemaphoreType.DMA,
        ],
    )(_sc_gather_body)


def kernel(audio_semantic, video_semantic, text_semantic, epoch, embedding):
    d = audio_semantic.shape[-1]
    flats = [jnp.reshape(x, (-1, d)) for x in (audio_semantic, video_semantic, text_semantic)]
    xns = [jnp.sum(f ** 2, axis=1)[None, :] for f in flats]
    slices = [embedding[:, _OFFS[m]:_OFFS[m] + d] for m in range(3)]
    en = jnp.stack([jnp.sum(e ** 2, axis=1) for e in slices], axis=1)

    ia, qa, iv, qv, it, qt = _tc_call(
        embedding, en,
        flats[0], xns[0], flats[1], xns[1], flats[2], xns[2])

    oa, ov, ot = _make_sc_gather()(
        embedding,
        jnp.reshape(ia, (-1,)), jnp.reshape(iv, (-1,)), jnp.reshape(it, (-1,)))

    full = (_B, _T, 3 * d)
    part = (_B, _T, d)
    return (jnp.reshape(oa, full), jnp.reshape(qa, part),
            jnp.reshape(ov, full), jnp.reshape(qv, part),
            jnp.reshape(ot, full), jnp.reshape(qt, part))

# --- scband reference (transcript-rebuilt; emitter-appended) ---
"""Pipeline reference for scband-avt-vqvae-encoder-43044162240521 (READ-ONLY COPY).

The authoritative reference and input builder live on the scoring server;
editing this copy changes nothing except your own understanding.
"""

import jax, jax.numpy as jnp
import numpy as np

B, T, D, M = 16, 256, 256, 1024

def setup_inputs(seed: int = 0) -> dict:
    key = jax.random.key(seed)
    k1, k2, k3, k4 = jax.random.split(key, 4)
    audio_semantic = jax.random.normal(k1, (B, T, D), dtype=jnp.float32)
    video_semantic = jax.random.normal(k2, (B, T, D), dtype=jnp.float32)
    text_semantic = jax.random.normal(k3, (B, T, D), dtype=jnp.float32)
    init_bound = 1.0 / M
    embedding = jax.random.uniform(k4, (M, 3 * D), minval=-init_bound, maxval=init_bound, dtype=jnp.float32)
    return {"audio_semantic": audio_semantic, "video_semantic": video_semantic, "text_semantic": text_semantic, "epoch": 0, "embedding": embedding}

def _vq(x, emb_slice, full_emb):
    b, t, d = x.shape
    flat = jax.lax.stop_gradient(x).reshape(-1, d)
    # ||e||^2 + ||x||^2 - 2 x e^T  (torch.addmm with alpha=-2, beta=1)
    dist = jnp.sum(emb_slice ** 2, axis=1)[None, :] + jnp.sum(flat ** 2, axis=1, keepdims=True) - 2.0 * (flat @ emb_slice.T)
    idx = jnp.argmin(dist, axis=-1)
    q = jnp.take(emb_slice, idx, axis=0).reshape(x.shape)
    # straight-through estimator: x + sg(q - x)
    q = x + jax.lax.stop_gradient(q - x)
    out_vq = jnp.take(full_emb, idx, axis=0).reshape(b, t, -1)
    return out_vq, q

def reference(audio_semantic, video_semantic, text_semantic, epoch, embedding):
    d = audio_semantic.shape[-1]
    video_emb = embedding[:, :d]
    audio_emb = embedding[:, d:2 * d]
    text_emb = embedding[:, 2 * d:]
    out_vq_a, a_q = _vq(audio_semantic, audio_emb, embedding)
    out_vq_v, v_q = _vq(video_semantic, video_emb, embedding)
    out_vq_t, t_q = _vq(text_semantic, text_emb, embedding)
    return (out_vq_a, a_q, out_vq_v, v_q, out_vq_t, t_q)

if __name__ == "__main__":
    import jax
    _d = setup_inputs()
    print(jax.jit(kernel)(*tuple(_d.values())))

</pallas_src>

<mosaic_0001>
#map = affine_map<(d0, d1) -> (0, 0)>
#map1 = affine_map<(d0, d1) -> (0)>
module attributes {stable_mosaic.version = 14 : i64} {
  func.func @_sc_gather_body(%arg0: i32, %arg1: i32, %arg2: memref<1024x768xf32, #tpu.memory_space<hbm>>, %arg3: memref<4096xi32, #tpu.memory_space<hbm>>, %arg4: memref<4096xi32, #tpu.memory_space<hbm>>, %arg5: memref<4096xi32, #tpu.memory_space<hbm>>, %arg6: memref<4096x768xf32, #tpu.memory_space<hbm>>, %arg7: memref<4096x768xf32, #tpu.memory_space<hbm>>, %arg8: memref<4096x768xf32, #tpu.memory_space<hbm>>, %arg9: memref<128xi32, #tpu.memory_space<vmem>>, %arg10: memref<128x768xf32, #tpu.memory_space<vmem>>, %arg11: memref<!tpu.dma_semaphore, #tpu.memory_space<semaphore_mem>>) attributes {dimension_semantics = [#tpu.dimension_semantics<core_parallel>, #tpu.dimension_semantics<subcore_parallel>], iteration_bounds = array<i64: 2, 16>, scalar_prefetch = 0 : i64, scratch_operands = 3 : i64, tpu.core_type = #tpu.core_type<sc_vector_subcore>, window_params = [{transform_indices = #map}, {transform_indices = #map1}, {transform_indices = #map1}, {transform_indices = #map1}, {transform_indices = #map}, {transform_indices = #map}, {transform_indices = #map}]} {
    %mul3A = arith.constant 2 : i32
    %mul3A_0 = arith.muli %arg1, %mul3A : i32
    %add3A = arith.addi %mul3A_0, %arg0 : i32
    %mul3A_1 = arith.constant 128 : i32
    %mul3A_2 = arith.muli %add3A, %mul3A_1 : i32
    "tpu.region"() ({
      %run_scoped3A = tpu.sem_alloc : memref<!tpu.dma_semaphore, #tpu.memory_space<semaphore_mem>>
      %dma_start3A_19 = tpu.memref_slice %arg3[%mul3A_2] : memref<4096xi32, #tpu.memory_space<hbm>> -> memref<128xi32, #tpu.memory_space<hbm>>
      %dma_start3A_20 = tpu.memref_slice %arg3[%mul3A_2] : memref<4096xi32, #tpu.memory_space<hbm>> -> memref<128xi32, #tpu.memory_space<hbm>>
      tpu.enqueue_dma source(%dma_start3A_20 : memref<128xi32, #tpu.memory_space<hbm>>) target(%arg9 : memref<128xi32, #tpu.memory_space<vmem>>) target_semaphore(%run_scoped3A : memref<!tpu.dma_semaphore, #tpu.memory_space<semaphore_mem>>)
      %dma_wait3A_21 = tpu.memref_slice %arg3[%mul3A_2] : memref<4096xi32, #tpu.memory_space<hbm>> -> memref<128xi32, #tpu.memory_space<hbm>>
      %dma_wait3A_22 = tpu.memref_slice %arg3[%mul3A_2] : memref<4096xi32, #tpu.memory_space<hbm>> -> memref<128xi32, #tpu.memory_space<hbm>>
      tpu.wait_dma2 semaphore(%run_scoped3A : memref<!tpu.dma_semaphore, #tpu.memory_space<semaphore_mem>>) src(%dma_wait3A_22 : memref<128xi32, #tpu.memory_space<hbm>>) dst(%arg9 : memref<128xi32, #tpu.memory_space<vmem>>)
      tpu.yield
    }) : () -> ()
    %dma_start3A = arith.constant 0 : i32
    %dma_start3A_3 = arith.constant 0 : i32
    %dma_start3A_4 = tpu.memref_slice %arg2[%dma_start3A, %dma_start3A_3] : memref<1024x768xf32, #tpu.memory_space<hbm>> -> memref<1024x768xf32, #tpu.memory_space<hbm>>
    tpu.enqueue_indirect_dma source(%dma_start3A_4 : memref<1024x768xf32, #tpu.memory_space<hbm>>) target(%arg10 : memref<128x768xf32, #tpu.memory_space<vmem>>) offsets(%arg9 : memref<128xi32, #tpu.memory_space<vmem>>) semaphore(%arg11 : memref<!tpu.dma_semaphore, #tpu.memory_space<semaphore_mem>>)
    %dma_wait3A = arith.constant 0 : i32
    %dma_wait3A_5 = arith.constant 0 : i32
    %dma_wait3A_6 = tpu.memref_slice %arg2[%dma_wait3A, %dma_wait3A_5] : memref<1024x768xf32, #tpu.memory_space<hbm>> -> memref<1024x768xf32, #tpu.memory_space<hbm>>
    tpu.wait_indirect_dma semaphore(%arg11 : memref<!tpu.dma_semaphore, #tpu.memory_space<semaphore_mem>>) src(%dma_wait3A_6 : memref<1024x768xf32, #tpu.memory_space<hbm>>) dst(%arg10 : memref<128x768xf32, #tpu.memory_space<vmem>>)
    "tpu.region"() ({
      %run_scoped3A = tpu.sem_alloc : memref<!tpu.dma_semaphore, #tpu.memory_space<semaphore_mem>>
      %dma_start3A_19 = arith.constant 0 : i32
      %dma_start3A_20 = tpu.memref_slice %arg6[%mul3A_2, %dma_start3A_19] : memref<4096x768xf32, #tpu.memory_space<hbm>> -> memref<128x768xf32, #tpu.memory_space<hbm>>
      %dma_start3A_21 = arith.constant 0 : i32
      %dma_start3A_22 = tpu.memref_slice %arg6[%mul3A_2, %dma_start3A_21] : memref<4096x768xf32, #tpu.memory_space<hbm>> -> memref<128x768xf32, #tpu.memory_space<hbm>>
      tpu.enqueue_dma source(%arg10 : memref<128x768xf32, #tpu.memory_space<vmem>>) target(%dma_start3A_22 : memref<128x768xf32, #tpu.memory_space<hbm>>) target_semaphore(%run_scoped3A : memref<!tpu.dma_semaphore, #tpu.memory_space<semaphore_mem>>)
      %dma_wait3A_23 = arith.constant 0 : i32
      %dma_wait3A_24 = tpu.memref_slice %arg6[%mul3A_2, %dma_wait3A_23] : memref<4096x768xf32, #tpu.memory_space<hbm>> -> memref<128x768xf32, #tpu.memory_space<hbm>>
      %dma_wait3A_25 = arith.constant 0 : i32
      %dma_wait3A_26 = tpu.memref_slice %arg6[%mul3A_2, %dma_wait3A_25] : memref<4096x768xf32, #tpu.memory_space<hbm>> -> memref<128x768xf32, #tpu.memory_space<hbm>>
      tpu.wait_dma2 semaphore(%run_scoped3A : memref<!tpu.dma_semaphore, #tpu.memory_space<semaphore_mem>>) src(%arg10 : memref<128x768xf32, #tpu.memory_space<vmem>>) dst(%dma_wait3A_26 : memref<128x768xf32, #tpu.memory_space<hbm>>)
      tpu.yield
    }) : () -> ()
    "tpu.region"() ({
      %run_scoped3A = tpu.sem_alloc : memref<!tpu.dma_semaphore, #tpu.memory_space<semaphore_mem>>
      %dma_start3A_19 = tpu.memref_slice %arg4[%mul3A_2] : memref<4096xi32, #tpu.memory_space<hbm>> -> memref<128xi32, #tpu.memory_space<hbm>>
      %dma_start3A_20 = tpu.memref_slice %arg4[%mul3A_2] : memref<4096xi32, #tpu.memory_space<hbm>> -> memref<128xi32, #tpu.memory_space<hbm>>
      tpu.enqueue_dma source(%dma_start3A_20 : memref<128xi32, #tpu.memory_space<hbm>>) target(%arg9 : memref<128xi32, #tpu.memory_space<vmem>>) target_semaphore(%run_scoped3A : memref<!tpu.dma_semaphore, #tpu.memory_space<semaphore_mem>>)
      %dma_wait3A_21 = tpu.memref_slice %arg4[%mul3A_2] : memref<4096xi32, #tpu.memory_space<hbm>> -> memref<128xi32, #tpu.memory_space<hbm>>
      %dma_wait3A_22 = tpu.memref_slice %arg4[%mul3A_2] : memref<4096xi32, #tpu.memory_space<hbm>> -> memref<128xi32, #tpu.memory_space<hbm>>
      tpu.wait_dma2 semaphore(%run_scoped3A : memref<!tpu.dma_semaphore, #tpu.memory_space<semaphore_mem>>) src(%dma_wait3A_22 : memref<128xi32, #tpu.memory_space<hbm>>) dst(%arg9 : memref<128xi32, #tpu.memory_space<vmem>>)
      tpu.yield
    }) : () -> ()
    %dma_start3A_7 = arith.constant 0 : i32
    %dma_start3A_8 = arith.constant 0 : i32
    %dma_start3A_9 = tpu.memref_slice %arg2[%dma_start3A_7, %dma_start3A_8] : memref<1024x768xf32, #tpu.memory_space<hbm>> -> memref<1024x768xf32, #tpu.memory_space<hbm>>
    tpu.enqueue_indirect_dma source(%dma_start3A_9 : memref<1024x768xf32, #tpu.memory_space<hbm>>) target(%arg10 : memref<128x768xf32, #tpu.memory_space<vmem>>) offsets(%arg9 : memref<128xi32, #tpu.memory_space<vmem>>) semaphore(%arg11 : memref<!tpu.dma_semaphore, #tpu.memory_space<semaphore_mem>>)
    %dma_wait3A_10 = arith.constant 0 : i32
    %dma_wait3A_11 = arith.constant 0 : i32
    %dma_wait3A_12 = tpu.memref_slice %arg2[%dma_wait3A_10, %dma_wait3A_11] : memref<1024x768xf32, #tpu.memory_space<hbm>> -> memref<1024x768xf32, #tpu.memory_space<hbm>>
    tpu.wait_indirect_dma semaphore(%arg11 : memref<!tpu.dma_semaphore, #tpu.memory_space<semaphore_mem>>) src(%dma_wait3A_12 : memref<1024x768xf32, #tpu.memory_space<hbm>>) dst(%arg10 : memref<128x768xf32, #tpu.memory_space<vmem>>)
    "tpu.region"() ({
      %run_scoped3A = tpu.sem_alloc : memref<!tpu.dma_semaphore, #tpu.memory_space<semaphore_mem>>
      %dma_start3A_19 = arith.constant 0 : i32
      %dma_start3A_20 = tpu.memref_slice %arg7[%mul3A_2, %dma_start3A_19] : memref<4096x768xf32, #tpu.memory_space<hbm>> -> memref<128x768xf32, #tpu.memory_space<hbm>>
      %dma_start3A_21 = arith.constant 0 : i32
      %dma_start3A_22 = tpu.memref_slice %arg7[%mul3A_2, %dma_start3A_21] : memref<4096x768xf32, #tpu.memory_space<hbm>> -> memref<128x768xf32, #tpu.memory_space<hbm>>
      tpu.enqueue_dma source(%arg10 : memref<128x768xf32, #tpu.memory_space<vmem>>) target(%dma_start3A_22 : memref<128x768xf32, #tpu.memory_space<hbm>>) target_semaphore(%run_scoped3A : memref<!tpu.dma_semaphore, #tpu.memory_space<semaphore_mem>>)
      %dma_wait3A_23 = arith.constant 0 : i32
      %dma_wait3A_24 = tpu.memref_slice %arg7[%mul3A_2, %dma_wait3A_23] : memref<4096x768xf32, #tpu.memory_space<hbm>> -> memref<128x768xf32, #tpu.memory_space<hbm>>
      %dma_wait3A_25 = arith.constant 0 : i32
      %dma_wait3A_26 = tpu.memref_slice %arg7[%mul3A_2, %dma_wait3A_25] : memref<4096x768xf32, #tpu.memory_space<hbm>> -> memref<128x768xf32, #tpu.memory_space<hbm>>
      tpu.wait_dma2 semaphore(%run_scoped3A : memref<!tpu.dma_semaphore, #tpu.memory_space<semaphore_mem>>) src(%arg10 : memref<128x768xf32, #tpu.memory_space<vmem>>) dst(%dma_wait3A_26 : memref<128x768xf32, #tpu.memory_space<hbm>>)
      tpu.yield
    }) : () -> ()
    "tpu.region"() ({
      %run_scoped3A = tpu.sem_alloc : memref<!tpu.dma_semaphore, #tpu.memory_space<semaphore_mem>>
      %dma_start3A_19 = tpu.memref_slice %arg5[%mul3A_2] : memref<4096xi32, #tpu.memory_space<hbm>> -> memref<128xi32, #tpu.memory_space<hbm>>
      %dma_start3A_20 = tpu.memref_slice %arg5[%mul3A_2] : memref<4096xi32, #tpu.memory_space<hbm>> -> memref<128xi32, #tpu.memory_space<hbm>>
      tpu.enqueue_dma source(%dma_start3A_20 : memref<128xi32, #tpu.memory_space<hbm>>) target(%arg9 : memref<128xi32, #tpu.memory_space<vmem>>) target_semaphore(%run_scoped3A : memref<!tpu.dma_semaphore, #tpu.memory_space<semaphore_mem>>)
      %dma_wait3A_21 = tpu.memref_slice %arg5[%mul3A_2] : memref<4096xi32, #tpu.memory_space<hbm>> -> memref<128xi32, #tpu.memory_space<hbm>>
      %dma_wait3A_22 = tpu.memref_slice %arg5[%mul3A_2] : memref<4096xi32, #tpu.memory_space<hbm>> -> memref<128xi32, #tpu.memory_space<hbm>>
      tpu.wait_dma2 semaphore(%run_scoped3A : memref<!tpu.dma_semaphore, #tpu.memory_space<semaphore_mem>>) src(%dma_wait3A_22 : memref<128xi32, #tpu.memory_space<hbm>>) dst(%arg9 : memref<128xi32, #tpu.memory_space<vmem>>)
      tpu.yield
    }) : () -> ()
    %dma_start3A_13 = arith.constant 0 : i32
    %dma_start3A_14 = arith.constant 0 : i32
    %dma_start3A_15 = tpu.memref_slice %arg2[%dma_start3A_13, %dma_start3A_14] : memref<1024x768xf32, #tpu.memory_space<hbm>> -> memref<1024x768xf32, #tpu.memory_space<hbm>>
    tpu.enqueue_indirect_dma source(%dma_start3A_15 : memref<1024x768xf32, #tpu.memory_space<hbm>>) target(%arg10 : memref<128x768xf32, #tpu.memory_space<vmem>>) offsets(%arg9 : memref<128xi32, #tpu.memory_space<vmem>>) semaphore(%arg11 : memref<!tpu.dma_semaphore, #tpu.memory_space<semaphore_mem>>)
    %dma_wait3A_16 = arith.constant 0 : i32
    %dma_wait3A_17 = arith.constant 0 : i32
    %dma_wait3A_18 = tpu.memref_slice %arg2[%dma_wait3A_16, %dma_wait3A_17] : memref<1024x768xf32, #tpu.memory_space<hbm>> -> memref<1024x768xf32, #tpu.memory_space<hbm>>
    tpu.wait_indirect_dma semaphore(%arg11 : memref<!tpu.dma_semaphore, #tpu.memory_space<semaphore_mem>>) src(%dma_wait3A_18 : memref<1024x768xf32, #tpu.memory_space<hbm>>) dst(%arg10 : memref<128x768xf32, #tpu.memory_space<vmem>>)
    "tpu.region"() ({
      %run_scoped3A = tpu.sem_alloc : memref<!tpu.dma_semaphore, #tpu.memory_space<semaphore_mem>>
      %dma_start3A_19 = arith.constant 0 : i32
      %dma_start3A_20 = tpu.memref_slice %arg8[%mul3A_2, %dma_start3A_19] : memref<4096x768xf32, #tpu.memory_space<hbm>> -> memref<128x768xf32, #tpu.memory_space<hbm>>
      %dma_start3A_21 = arith.constant 0 : i32
      %dma_start3A_22 = tpu.memref_slice %arg8[%mul3A_2, %dma_start3A_21] : memref<4096x768xf32, #tpu.memory_space<hbm>> -> memref<128x768xf32, #tpu.memory_space<hbm>>
      tpu.enqueue_dma source(%arg10 : memref<128x768xf32, #tpu.memory_space<vmem>>) target(%dma_start3A_22 : memref<128x768xf32, #tpu.memory_space<hbm>>) target_semaphore(%run_scoped3A : memref<!tpu.dma_semaphore, #tpu.memory_space<semaphore_mem>>)
      %dma_wait3A_23 = arith.constant 0 : i32
      %dma_wait3A_24 = tpu.memref_slice %arg8[%mul3A_2, %dma_wait3A_23] : memref<4096x768xf32, #tpu.memory_space<hbm>> -> memref<128x768xf32, #tpu.memory_space<hbm>>
      %dma_wait3A_25 = arith.constant 0 : i32
      %dma_wait3A_26 = tpu.memref_slice %arg8[%mul3A_2, %dma_wait3A_25] : memref<4096x768xf32, #tpu.memory_space<hbm>> -> memref<128x768xf32, #tpu.memory_space<hbm>>
      tpu.wait_dma2 semaphore(%run_scoped3A : memref<!tpu.dma_semaphore, #tpu.memory_space<semaphore_mem>>) src(%arg10 : memref<128x768xf32, #tpu.memory_space<vmem>>) dst(%dma_wait3A_26 : memref<128x768xf32, #tpu.memory_space<hbm>>)
      tpu.yield
    }) : () -> ()
    return
  }
}

module attributes {stable_mosaic.version = 14 : i64} {
  func.func @_tc_body(%arg0: i32, %arg1: memref<1024x768xf32, #tpu.memory_space<vmem>>, %arg2: memref<1024x3xf32, #tpu.memory_space<vmem>>, %arg3: memref<1024x256xf32, #tpu.memory_space<vmem>>, %arg4: memref<1x1024xf32, #tpu.memory_space<vmem>>, %arg5: memref<1024x256xf32, #tpu.memory_space<vmem>>, %arg6: memref<1x1024xf32, #tpu.memory_space<vmem>>, %arg7: memref<1024x256xf32, #tpu.memory_space<vmem>>, %arg8: memref<1x1024xf32, #tpu.memory_space<vmem>>, %arg9: memref<1x1024xi32, #tpu.memory_space<vmem>>, %arg10: memref<1024x256xf32, #tpu.memory_space<vmem>>, %arg11: memref<1x1024xi32, #tpu.memory_space<vmem>>, %arg12: memref<1024x256xf32, #tpu.memory_space<vmem>>, %arg13: memref<1x1024xi32, #tpu.memory_space<vmem>>, %arg14: memref<1024x256xf32, #tpu.memory_space<vmem>>) attributes {dimension_semantics = [#tpu.dimension_semantics<arbitrary>], iteration_bounds = array<i64: 4>, scalar_prefetch = 0 : i64, scratch_operands = 0 : i64, tpu.core_type = #tpu.core_type<tc>, window_params = [{pipeline_mode = #tpu.pipeline_mode<synchronous>, transform_indices = @transform_0, window_bounds = array<i64: 1024, 768>}, {pipeline_mode = #tpu.pipeline_mode<synchronous>, transform_indices = @transform_1, window_bounds = array<i64: 1024, 3>}, {transform_indices = @transform_2, window_bounds = array<i64: 1024, 256>}, {transform_indices = @transform_3, window_bounds = array<i64: 1, 1024>}, {transform_indices = @transform_4, window_bounds = array<i64: 1024, 256>}, {transform_indices = @transform_5, window_bounds = array<i64: 1, 1024>}, {transform_indices = @transform_6, window_bounds = array<i64: 1024, 256>}, {transform_indices = @transform_7, window_bounds = array<i64: 1, 1024>}, {transform_indices = @transform_8, window_bounds = array<i64: 1, 1024>}, {transform_indices = @transform_9, window_bounds = array<i64: 1024, 256>}, {transform_indices = @transform_10, window_bounds = array<i64: 1, 1024>}, {transform_indices = @transform_11, window_bounds = array<i64: 1024, 256>}, {transform_indices = @transform_12, window_bounds = array<i64: 1, 1024>}, {transform_indices = @transform_13, window_bounds = array<i64: 1024, 256>}]} {
    %get3A = arith.constant 0 : index
    %get3A_0 = arith.constant 0 : index
    %get3A_1 = vector.load %arg1[%get3A, %get3A_0] : memref<1024x768xf32, #tpu.memory_space<vmem>>, vector<1024x768xf32>
    %iota3A = tpu.iota {dimensions = array<i32: 0>} : vector<1024x1024xi32>
    %get3A_2 = arith.constant 0 : index
    %get3A_3 = arith.constant 0 : index
    %get3A_4 = vector.load %arg3[%get3A_2, %get3A_3] : memref<1024x256xf32, #tpu.memory_space<vmem>>, vector<1024x256xf32>
    %slice3A = vector.extract_strided_slice %get3A_1 {offsets = [0, 256], sizes = [1024, 256], strides = [1, 1]} : vector<1024x768xf32> to vector<1024x256xf32>
    %dot_general3A = arith.constant dense<0.000000e+00> : vector<1024x1024xf32>
    %dot_general3A_5 = tpu.matmul %slice3A, %get3A_4, %dot_general3A {dimension_numbers = #tpu.dot_dimension_numbers<[1], [1], [0], [0], [0, 0, 1, 0], [], []>, transpose_lhs_hint = false} : vector<1024x256xf32>, vector<1024x256xf32>, vector<1024x1024xf32> -> vector<1024x1024xf32>
    %get3A_6 = arith.constant 0 : index
    %get3A_7 = arith.constant 0 : index
    %get3A_8 = vector.load %arg2[%get3A_6, %get3A_7] : memref<1024x3xf32, #tpu.memory_space<vmem>>, vector<1024x1xf32>
    %get3A_9 = arith.constant 0 : index
    %get3A_10 = arith.constant 0 : index
    %get3A_11 = vector.load %arg4[%get3A_9, %get3A_10] : memref<1x1024xf32, #tpu.memory_space<vmem>>, vector<1x1024xf32>
    %add3A = vector.broadcast %get3A_8 : vector<1024x1xf32> to vector<1024x1024xf32>
    %add3A_12 = vector.broadcast %get3A_11 : vector<1x1024xf32> to vector<1024x1024xf32>
    %add3A_13 = arith.addf %add3A, %add3A_12 : vector<1024x1024xf32>
    %mul3A = arith.constant 2.000000e+00 : f32
    %mul3A_14 = vector.broadcast %mul3A : f32 to vector<1024x1024xf32>
    %mul3A_15 = arith.mulf %mul3A_14, %dot_general3A_5 : vector<1024x1024xf32>
    %sub3A = arith.subf %add3A_13, %mul3A_15 : vector<1024x1024xf32>
    %reduce_min3A = arith.constant dense<0x7F800000> : vector<1024xf32>
    %reduce_min3A_16 = vector.multi_reduction <minimumf>, %sub3A, %reduce_min3A [0] : vector<1024x1024xf32> to vector<1024xf32>
    %broadcast_in_dim3A = vector.shape_cast %reduce_min3A_16 : vector<1024xf32> to vector<1x1024xf32>
    %eq3A = vector.broadcast %broadcast_in_dim3A : vector<1x1024xf32> to vector<1024x1024xf32>
    %eq3A_17 = arith.cmpf oeq, %sub3A, %eq3A : vector<1024x1024xf32>
    %jit3A = arith.constant 1024 : i32
    %broadcast_in_dim3A_18 = vector.broadcast %jit3A : i32 to vector<1024x1024xi32>
    %select_n3A = arith.select %eq3A_17, %iota3A, %broadcast_in_dim3A_18 : vector<1024x1024xi1>, vector<1024x1024xi32>
    %reduce_min3A_19 = arith.constant dense<2147483647> : vector<1024xi32>
    %reduce_min3A_20 = vector.multi_reduction <minsi>, %select_n3A, %reduce_min3A_19 [0] : vector<1024x1024xi32> to vector<1024xi32>
    %broadcast_in_dim3A_21 = vector.shape_cast %reduce_min3A_20 : vector<1024xi32> to vector<1x1024xi32>
    %swap3A = arith.constant 0 : index
    %swap3A_22 = arith.constant 0 : index
    %swap3A_23 = vector.load %arg9[%swap3A, %swap3A_22] : memref<1x1024xi32, #tpu.memory_space<vmem>>, vector<1x1024xi32>
    tpu.vector_store %arg9[%swap3A, %swap3A_22], %broadcast_in_dim3A_21 {strides = array<i32>} : memref<1x1024xi32, #tpu.memory_space<vmem>>, vector<1x1024xi32>,
    %eq3A_24 = vector.broadcast %broadcast_in_dim3A_21 : vector<1x1024xi32> to vector<1024x1024xi32>
    %eq3A_25 = arith.cmpi eq, %iota3A, %eq3A_24 : vector<1024x1024xi32>
    %convert_element_type3A = arith.extui %eq3A_25 : vector<1024x1024xi1> to vector<1024x1024xi32>
    %convert_element_type3A_26 = arith.sitofp %convert_element_type3A : vector<1024x1024xi32> to vector<1024x1024xf32>
    %dot_general3A_27 = arith.constant dense<0.000000e+00> : vector<1024x256xf32>
    %dot_general3A_28 = tpu.matmul %convert_element_type3A_26, %slice3A, %dot_general3A_27 {dimension_numbers = #tpu.dot_dimension_numbers<[0], [0], [1], [1], [0, 1, 1, 1], [], []>, transpose_lhs_hint = false} : vector<1024x1024xf32>, vector<1024x256xf32>, vector<1024x256xf32> -> vector<1024x256xf32>
    %sub3A_29 = arith.subf %dot_general3A_28, %get3A_4 : vector<1024x256xf32>
    %add3A_30 = arith.addf %get3A_4, %sub3A_29 : vector<1024x256xf32>
    %swap3A_31 = arith.constant 0 : index
    %swap3A_32 = arith.constant 0 : index
    %swap3A_33 = vector.load %arg10[%swap3A_31, %swap3A_32] : memref<1024x256xf32, #tpu.memory_space<vmem>>, vector<1024x256xf32>
    tpu.vector_store %arg10[%swap3A_31, %swap3A_32], %add3A_30 {strides = array<i32>} : memref<1024x256xf32, #tpu.memory_space<vmem>>, vector<1024x256xf32>,
    %get3A_34 = arith.constant 0 : index
    %get3A_35 = arith.constant 0 : index
    %get3A_36 = vector.load %arg5[%get3A_34, %get3A_35] : memref<1024x256xf32, #tpu.memory_space<vmem>>, vector<1024x256xf32>
    %slice3A_37 = vector.extract_strided_slice %get3A_1 {offsets = [0, 0], sizes = [1024, 256], strides = [1, 1]} : vector<1024x768xf32> to vector<1024x256xf32>
    %dot_general3A_38 = arith.constant dense<0.000000e+00> : vector<1024x1024xf32>
    %dot_general3A_39 = tpu.matmul %slice3A_37, %get3A_36, %dot_general3A_38 {dimension_numbers = #tpu.dot_dimension_numbers<[1], [1], [0], [0], [0, 0, 1, 0], [], []>, transpose_lhs_hint = false} : vector<1024x256xf32>, vector<1024x256xf32>, vector<1024x1024xf32> -> vector<1024x1024xf32>
    %get3A_40 = arith.constant 0 : index
    %get3A_41 = arith.constant 1 : index
    %get3A_42 = vector.load %arg2[%get3A_40, %get3A_41] : memref<1024x3xf32, #tpu.memory_space<vmem>>, vector<1024x1xf32>
    %get3A_43 = arith.constant 0 : index
    %get3A_44 = arith.constant 0 : index
    %get3A_45 = vector.load %arg6[%get3A_43, %get3A_44] : memref<1x1024xf32, #tpu.memory_space<vmem>>, vector<1x1024xf32>
    %add3A_46 = vector.broadcast %get3A_42 : vector<1024x1xf32> to vector<1024x1024xf32>
    %add3A_47 = vector.broadcast %get3A_45 : vector<1x1024xf32> to vector<1024x1024xf32>
    %add3A_48 = arith.addf %add3A_46, %add3A_47 : vector<1024x1024xf32>
    %mul3A_49 = arith.constant 2.000000e+00 : f32
    %mul3A_50 = vector.broadcast %mul3A_49 : f32 to vector<1024x1024xf32>
    %mul3A_51 = arith.mulf %mul3A_50, %dot_general3A_39 : vector<1024x1024xf32>
    %sub3A_52 = arith.subf %add3A_48, %mul3A_51 : vector<1024x1024xf32>
    %reduce_min3A_53 = arith.constant dense<0x7F800000> : vector<1024xf32>
    %reduce_min3A_54 = vector.multi_reduction <minimumf>, %sub3A_52, %reduce_min3A_53 [0] : vector<1024x1024xf32> to vector<1024xf32>
    %broadcast_in_dim3A_55 = vector.shape_cast %reduce_min3A_54 : vector<1024xf32> to vector<1x1024xf32>
    %eq3A_56 = vector.broadcast %broadcast_in_dim3A_55 : vector<1x1024xf32> to vector<1024x1024xf32>
    %eq3A_57 = arith.cmpf oeq, %sub3A_52, %eq3A_56 : vector<1024x1024xf32>
    %jit3A_58 = arith.constant 1024 : i32
    %broadcast_in_dim3A_59 = vector.broadcast %jit3A_58 : i32 to vector<1024x1024xi32>
    %select_n3A_60 = arith.select %eq3A_57, %iota3A, %broadcast_in_dim3A_59 : vector<1024x1024xi1>, vector<1024x1024xi32>
    %reduce_min3A_61 = arith.constant dense<2147483647> : vector<1024xi32>
    %reduce_min3A_62 = vector.multi_reduction <minsi>, %select_n3A_60, %reduce_min3A_61 [0] : vector<1024x1024xi32> to vector<1024xi32>
    %broadcast_in_dim3A_63 = vector.shape_cast %reduce_min3A_62 : vector<1024xi32> to vector<1x1024xi32>
    %swap3A_64 = arith.constant 0 : index
    %swap3A_65 = arith.constant 0 : index
    %swap3A_66 = vector.load %arg11[%swap3A_64, %swap3A_65] : memref<1x1024xi32, #tpu.memory_space<vmem>>, vector<1x1024xi32>
    tpu.vector_store %arg11[%swap3A_64, %swap3A_65], %broadcast_in_dim3A_63 {strides = array<i32>} : memref<1x1024xi32, #tpu.memory_space<vmem>>, vector<1x1024xi32>,
    %eq3A_67 = vector.broadcast %broadcast_in_dim3A_63 : vector<1x1024xi32> to vector<1024x1024xi32>
    %eq3A_68 = arith.cmpi eq, %iota3A, %eq3A_67 : vector<1024x1024xi32>
    %convert_element_type3A_69 = arith.extui %eq3A_68 : vector<1024x1024xi1> to vector<1024x1024xi32>
    %convert_element_type3A_70 = arith.sitofp %convert_element_type3A_69 : vector<1024x1024xi32> to vector<1024x1024xf32>
    %dot_general3A_71 = arith.constant dense<0.000000e+00> : vector<1024x256xf32>
    %dot_general3A_72 = tpu.matmul %convert_element_type3A_70, %slice3A_37, %dot_general3A_71 {dimension_numbers = #tpu.dot_dimension_numbers<[0], [0], [1], [1], [0, 1, 1, 1], [], []>, transpose_lhs_hint = false} : vector<1024x1024xf32>, vector<1024x256xf32>, vector<1024x256xf32> -> vector<1024x256xf32>
    %sub3A_73 = arith.subf %dot_general3A_72, %get3A_36 : vector<1024x256xf32>
    %add3A_74 = arith.addf %get3A_36, %sub3A_73 : vector<1024x256xf32>
    %swap3A_75 = arith.constant 0 : index
    %swap3A_76 = arith.constant 0 : index
    %swap3A_77 = vector.load %arg12[%swap3A_75, %swap3A_76] : memref<1024x256xf32, #tpu.memory_space<vmem>>, vector<1024x256xf32>
    tpu.vector_store %arg12[%swap3A_75, %swap3A_76], %add3A_74 {strides = array<i32>} : memref<1024x256xf32, #tpu.memory_space<vmem>>, vector<1024x256xf32>,
    %get3A_78 = arith.constant 0 : index
    %get3A_79 = arith.constant 0 : index
    %get3A_80 = vector.load %arg7[%get3A_78, %get3A_79] : memref<1024x256xf32, #tpu.memory_space<vmem>>, vector<1024x256xf32>
    %slice3A_81 = vector.extract_strided_slice %get3A_1 {offsets = [0, 512], sizes = [1024, 256], strides = [1, 1]} : vector<1024x768xf32> to vector<1024x256xf32>
    %dot_general3A_82 = arith.constant dense<0.000000e+00> : vector<1024x1024xf32>
    %dot_general3A_83 = tpu.matmul %slice3A_81, %get3A_80, %dot_general3A_82 {dimension_numbers = #tpu.dot_dimension_numbers<[1], [1], [0], [0], [0, 0, 1, 0], [], []>, transpose_lhs_hint = false} : vector<1024x256xf32>, vector<1024x256xf32>, vector<1024x1024xf32> -> vector<1024x1024xf32>
    %get3A_84 = arith.constant 0 : index
    %get3A_85 = arith.constant 2 : index
    %get3A_86 = vector.load %arg2[%get3A_84, %get3A_85] : memref<1024x3xf32, #tpu.memory_space<vmem>>, vector<1024x1xf32>
    %get3A_87 = arith.constant 0 : index
    %get3A_88 = arith.constant 0 : index
    %get3A_89 = vector.load %arg8[%get3A_87, %get3A_88] : memref<1x1024xf32, #tpu.memory_space<vmem>>, vector<1x1024xf32>
    %add3A_90 = vector.broadcast %get3A_86 : vector<1024x1xf32> to vector<1024x1024xf32>
    %add3A_91 = vector.broadcast %get3A_89 : vector<1x1024xf32> to vector<1024x1024xf32>
    %add3A_92 = arith.addf %add3A_90, %add3A_91 : vector<1024x1024xf32>
    %mul3A_93 = arith.constant 2.000000e+00 : f32
    %mul3A_94 = vector.broadcast %mul3A_93 : f32 to vector<1024x1024xf32>
    %mul3A_95 = arith.mulf %mul3A_94, %dot_general3A_83 : vector<1024x1024xf32>
    %sub3A_96 = arith.subf %add3A_92, %mul3A_95 : vector<1024x1024xf32>
    %reduce_min3A_97 = arith.constant dense<0x7F800000> : vector<1024xf32>
    %reduce_min3A_98 = vector.multi_reduction <minimumf>, %sub3A_96, %reduce_min3A_97 [0] : vector<1024x1024xf32> to vector<1024xf32>
    %broadcast_in_dim3A_99 = vector.shape_cast %reduce_min3A_98 : vector<1024xf32> to vector<1x1024xf32>
    %eq3A_100 = vector.broadcast %broadcast_in_dim3A_99 : vector<1x1024xf32> to vector<1024x1024xf32>
    %eq3A_101 = arith.cmpf oeq, %sub3A_96, %eq3A_100 : vector<1024x1024xf32>
    %jit3A_102 = arith.constant 1024 : i32
    %broadcast_in_dim3A_103 = vector.broadcast %jit3A_102 : i32 to vector<1024x1024xi32>
    %select_n3A_104 = arith.select %eq3A_101, %iota3A, %broadcast_in_dim3A_103 : vector<1024x1024xi1>, vector<1024x1024xi32>
    %reduce_min3A_105 = arith.constant dense<2147483647> : vector<1024xi32>
    %reduce_min3A_106 = vector.multi_reduction <minsi>, %select_n3A_104, %reduce_min3A_105 [0] : vector<1024x1024xi32> to vector<1024xi32>
    %broadcast_in_dim3A_107 = vector.shape_cast %reduce_min3A_106 : vector<1024xi32> to vector<1x1024xi32>
    %swap3A_108 = arith.constant 0 : index
    %swap3A_109 = arith.constant 0 : index
    %swap3A_110 = vector.load %arg13[%swap3A_108, %swap3A_109] : memref<1x1024xi32, #tpu.memory_space<vmem>>, vector<1x1024xi32>
    tpu.vector_store %arg13[%swap3A_108, %swap3A_109], %broadcast_in_dim3A_107 {strides = array<i32>} : memref<1x1024xi32, #tpu.memory_space<vmem>>, vector<1x1024xi32>,
    %eq3A_111 = vector.broadcast %broadcast_in_dim3A_107 : vector<1x1024xi32> to vector<1024x1024xi32>
    %eq3A_112 = arith.cmpi eq, %iota3A, %eq3A_111 : vector<1024x1024xi32>
    %convert_element_type3A_113 = arith.extui %eq3A_112 : vector<1024x1024xi1> to vector<1024x1024xi32>
    %convert_element_type3A_114 = arith.sitofp %convert_element_type3A_113 : vector<1024x1024xi32> to vector<1024x1024xf32>
    %dot_general3A_115 = arith.constant dense<0.000000e+00> : vector<1024x256xf32>
    %dot_general3A_116 = tpu.matmul %convert_element_type3A_114, %slice3A_81, %dot_general3A_115 {dimension_numbers = #tpu.dot_dimension_numbers<[0], [0], [1], [1], [0, 1, 1, 1], [], []>, transpose_lhs_hint = false} : vector<1024x1024xf32>, vector<1024x256xf32>, vector<1024x256xf32> -> vector<1024x256xf32>
    %sub3A_117 = arith.subf %dot_general3A_116, %get3A_80 : vector<1024x256xf32>
    %add3A_118 = arith.addf %get3A_80, %sub3A_117 : vector<1024x256xf32>
    %swap3A_119 = arith.constant 0 : index
    %swap3A_120 = arith.constant 0 : index
    %swap3A_121 = vector.load %arg14[%swap3A_119, %swap3A_120] : memref<1024x256xf32, #tpu.memory_space<vmem>>, vector<1024x256xf32>
    tpu.vector_store %arg14[%swap3A_119, %swap3A_120], %add3A_118 {strides = array<i32>} : memref<1024x256xf32, #tpu.memory_space<vmem>>, vector<1024x256xf32>,
    return
  }
  func.func @transform_0(%arg0: i32) -> (i32, i32) {
    %c0_i32 = arith.constant 0 : i32
    %c0_i32_0 = arith.constant 0 : i32
    %c0_i32_1 = arith.constant 0 : i32
    return %c0_i32, %c0_i32_0 : i32, i32
  }
  func.func @transform_1(%arg0: i32) -> (i32, i32) {
    %c0_i32 = arith.constant 0 : i32
    %c0_i32_0 = arith.constant 0 : i32
    %c0_i32_1 = arith.constant 0 : i32
    return %c0_i32, %c0_i32_0 : i32, i32
  }
  func.func @transform_2(%arg0: i32) -> (i32, i32) {
    %c0_i32 = arith.constant 0 : i32
    %c0_i32_0 = arith.constant 0 : i32
    return %arg0, %c0_i32 : i32, i32
  }
  func.func @transform_3(%arg0: i32) -> (i32, i32) {
    %c0_i32 = arith.constant 0 : i32
    %c0_i32_0 = arith.constant 0 : i32
    return %c0_i32, %arg0 : i32, i32
  }
  func.func @transform_4(%arg0: i32) -> (i32, i32) {
    %c0_i32 = arith.constant 0 : i32
    %c0_i32_0 = arith.constant 0 : i32
    return %arg0, %c0_i32 : i32, i32
  }
  func.func @transform_5(%arg0: i32) -> (i32, i32) {
    %c0_i32 = arith.constant 0 : i32
    %c0_i32_0 = arith.constant 0 : i32
    return %c0_i32, %arg0 : i32, i32
  }
  func.func @transform_6(%arg0: i32) -> (i32, i32) {
    %c0_i32 = arith.constant 0 : i32
    %c0_i32_0 = arith.constant 0 : i32
    return %arg0, %c0_i32 : i32, i32
  }
  func.func @transform_7(%arg0: i32) -> (i32, i32) {
    %c0_i32 = arith.constant 0 : i32
    %c0_i32_0 = arith.constant 0 : i32
    return %c0_i32, %arg0 : i32, i32
  }
  func.func @transform_8(%arg0: i32) -> (i32, i32) {
    %c0_i32 = arith.constant 0 : i32
    %c0_i32_0 = arith.constant 0 : i32
    return %c0_i32, %arg0 : i32, i32
  }
  func.func @transform_9(%arg0: i32) -> (i32, i32) {
    %c0_i32 = arith.constant 0 : i32
    %c0_i32_0 = arith.constant 0 : i32
    return %arg0, %c0_i32 : i32, i32
  }
  func.func @transform_10(%arg0: i32) -> (i32, i32) {
    %c0_i32 = arith.constant 0 : i32
    %c0_i32_0 = arith.constant 0 : i32
    return %c0_i32, %arg0 : i32, i32
  }
  func.func @transform_11(%arg0: i32) -> (i32, i32) {
    %c0_i32 = arith.constant 0 : i32
    %c0_i32_0 = arith.constant 0 : i32
    return %arg0, %c0_i32 : i32, i32
  }
  func.func @transform_12(%arg0: i32) -> (i32, i32) {
    %c0_i32 = arith.constant 0 : i32
    %c0_i32_0 = arith.constant 0 : i32
    return %c0_i32, %arg0 : i32, i32
  }
  func.func @transform_13(%arg0: i32) -> (i32, i32) {
    %c0_i32 = arith.constant 0 : i32
    %c0_i32_0 = arith.constant 0 : i32
    return %arg0, %c0_i32 : i32, i32
  }
}

</mosaic_0001>

<sc_bundles>
// kernel: kernel.4.cloned.1.call-start
scs
__scs_entry_jumppad:
0x0: {  	(pc) =	sbr.rel $0x88, $3  }
0x1: {  	(tag) =	ssettag $0x0;
	lr =	simm.s32 $0x1  }
0x2: {  	[smem:$0x3F9D] =	sst lr;
	_ =	strace $0xD0000000  }
0x3: {  	_ = 	snop  }
0x4: {  	_ = 	snop  }
0x5: {  	_ = 	snop  }
0x6: {  	_ = 	snop  }
0x7: {  	_ = 	snop  }
__scs_overlays_trampoline_lowered:
0x8: {  	[smem:$0x3FAC] =	sst s0  }
0x9: {  	[smem:$0x3FAD] =	sst s1  }
0xa: {  	[smem:$0x3FAE] =	sst s2  }
0xb: {  	[smem:$0x3FAF] =	sst s3  }
0xc: {  	[smem:$0x3FB0] =	sst s4  }
0xd: {  	[smem:$0x3FB1] =	sst s5  }
0xe: {  	[smem:$0x3FB2] =	sst s6  }
0xf: {  	[smem:$0x3FB3] =	sst s7  }
0x10: {  	[smem:$0x3FB4] =	sst s8  }
0x11: {  	[smem:$0x3FB5] =	sst s9;
	s0 =	simm.s32 @!p0 $0x0  }
0x12: {  	s1 =	sld [smem:$0x3F9B];
	s0 =	simm.s32 @p0 $0x1  }
0x13: {  	[smem:$0x3FB6] =	sst s0;
	s0 =	simm.s32 @!p1 $0x0  }
0x14: {  	s2 =	sld [smem:$0x3F9A];
	s0 =	simm.s32 @p1 $0x1  }
0x15: {  	[smem:$0x3FB7] =	sst s0;
	s0 =	simm.s32 @!p2 $0x0  }
0x16: {  	s3 =	sld [smem:$0x3FDB];
	s0 =	simm.s32 @p2 $0x1  }
0x17: {  	s4 =	simm.s32 $0x1BF5;
	[smem:$0x3FB9] =	sst s0  }
0x18: {  	s0 =	sld [smem:$0x3F9C];
	_ =	swait.ge [sflag:s4], $0x0  }
0x19: {  	s7 =	sld [smem:$0x3F9D]  }
0x1a: {  	s8 =	sadd.s32 $0xFFFFE003, lr  }
0x1b: {  	s9 =	sadd.s32 $0xFFFFFEF7, lr;
	s5 =	simm.s32 $0xFFFFFFFF;
	p2 =	slt.u32 s8, $0xFFFFF086  }
0x1c: {  	p1 =	slt.u32 s9, $0xF7A;
	s5 =	simm.s32 @!p2 $0x0  }
0x1d: {  	s5 =	simm.s32 @p1 $0x1;
	p0 =	seq.s32 s7, s2  }
0x1e: {  	s7 =	smul.u32 @!p0 $0xF7A, s2;
	p2 =	seq.s32 @!p0 s5, $0x0  }
0x1f: {  	s9 =	smul.u32 $0xF7A, s1;
	s8 =	simm.s32 @!p0 $0x1BF5;
	p2 =	por !p2, p0  }
0x20: {  	[sflag:s8] =	ssyncset.s32 @!p0 $0xFFFFF086;
	s6 =	sadd.s32 @!p0 s3, s7;
	s7 =	simm.s32 @!p0 $0x108  }
0x21: {  	s3 =	sadd.s32 s3, s9;
	s6 =	sadd.s32 @!p0 $0x88, s6;
	s7 =	simm.s32 @p2 $0x1082  }
0x22: {  	[simem:s7], [sflag:s8] =	dma.local @!p0 [hbm:s6], $0xF7A  }
0x23: {  	s9 =	sor.u32 $0xD0000000, s2;
	s6 =	simm.s32 $0x108;
	_ =	swait.ge @!p0 [sflag:s8], $0x0  }
0x24: {  	s3 =	sadd.s32 $0x88, s3;
	s6 =	simm.s32 @!p1 $0x1082;
	[sflag:s4] =	ssyncset.s32 $0xFFFFF086  }
0x25: {  	[simem:s6], [sflag:s4] =	dma.local [hbm:s3], $0xF7A  }
0x26: {  	[smem:$0x3F9D] =	sst s1;
	(tag) =	ssettag s2;
	_ =	strace s9  }
0x27: {  	s1 =	sld [smem:$0x3FAD]  }
0x28: {  	s2 =	sld [smem:$0x3FAE]  }
0x29: {  	s4 =	sld [smem:$0x3FB0]  }
0x2a: {  	p0 =	seq.s32 s5, $0x0;
	s5 =	sld [smem:$0x3FB1]  }
0x2b: {  	s6 =	sld [smem:$0x3FB2]  }
0x2c: {  	s7 =	sld [smem:$0x3FB3]  }
0x2d: {  	s3 =	simm.s32 $0x108;
	s8 =	sld [smem:$0x3FB4]  }
0x2e: {  	s3 =	simm.s32 @!p0 $0x1082;
	s9 =	sld [smem:$0x3FB5]  }
0x2f: {  	lr =	sadd.s32 s0, s3;
	s0 =	sld [smem:$0x3FAC]  }
0x30: {  	s3 =	sld [smem:$0x3FAF]  }
0x31: {  	[smem:$0x3FB8] =	sst s10  }
0x32: {  	s10 =	sld [smem:$0x3FB6];
	_ =	sdelay $0x3  }
0x33: {  	p0 =	seq.s32 s10, $0x1;
	s10 =	sld [smem:$0x3FB8];
	_ =	sdelay $0x3  }
0x34: {  	[smem:$0x3FB8] =	sst s10  }
0x35: {  	s10 =	sld [smem:$0x3FB7];
	_ =	sdelay $0x3  }
0x36: {  	p1 =	seq.s32 s10, $0x1;
	s10 =	sld [smem:$0x3FB8];
	_ =	sdelay $0x3  }
0x37: {  	[smem:$0x3FB8] =	sst s10  }
0x38: {  	s10 =	sld [smem:$0x3FB9]  }
0x39: {  	_ = 	snop;
	(pc) =	sbr.ind lr, $3  }
0x3a: {  	_ = 	snop  }
0x3b: {  	_ = 	snop  }
0x3c: {  	p2 =	seq.s32 s10, $0x1;
	s10 =	sld [smem:$0x3FB8]  }
0x3d: {  	_ =	shalt  }
0x3e: {  	_ =	shalt  }
0x3f: {  	_ =	shalt  }
0x40: {  	_ =	shalt  }
0x41: {  	_ =	shalt  }
0x42: {  	_ =	shalt  }
0x43: {  	_ =	shalt  }
0x44: {  	_ =	shalt  }
0x45: {  	_ =	shalt  }
0x46: {  	_ =	shalt  }
0x47: {  	_ =	shalt  }
0x48: {  	_ =	shalt  }
0x49: {  	_ =	shalt  }
0x4a: {  	_ =	shalt  }
0x4b: {  	_ =	shalt  }
0x4c: {  	_ =	shalt  }
0x4d: {  	_ =	shalt  }
0x4e: {  	_ =	shalt  }
0x4f: {  	_ =	shalt  }
0x50: {  	_ =	shalt  }
0x51: {  	_ =	shalt  }
0x52: {  	_ =	shalt  }
0x53: {  	_ =	shalt  }
0x54: {  	_ =	shalt  }
0x55: {  	_ =	shalt  }
0x56: {  	_ =	shalt  }
0x57: {  	_ =	shalt  }
0x58: {  	_ =	shalt  }
0x59: {  	_ =	shalt  }
0x5a: {  	_ =	shalt  }
0x5b: {  	_ =	shalt  }
0x5c: {  	_ =	shalt  }
0x5d: {  	_ =	shalt  }
0x5e: {  	_ =	shalt  }
0x5f: {  	_ =	shalt  }
0x60: {  	_ =	shalt  }
0x61: {  	_ =	shalt  }
0x62: {  	_ =	shalt  }
0x63: {  	_ =	shalt  }
0x64: {  	_ =	shalt  }
0x65: {  	_ =	shalt  }
0x66: {  	_ =	shalt  }
0x67: {  	_ =	shalt  }
0x68: {  	_ =	shalt  }
0x69: {  	_ =	shalt  }
0x6a: {  	_ =	shalt  }
0x6b: {  	_ =	shalt  }
0x6c: {  	_ =	shalt  }
0x6d: {  	_ =	shalt  }
0x6e: {  	_ =	shalt  }
0x6f: {  	_ =	shalt  }
0x70: {  	_ =	shalt  }
0x71: {  	_ =	shalt  }
0x72: {  	_ =	shalt  }
0x73: {  	_ =	shalt  }
0x74: {  	_ =	shalt  }
0x75: {  	_ =	shalt  }
0x76: {  	_ =	shalt  }
0x77: {  	_ =	shalt  }
0x78: {  	_ =	shalt  }
0x79: {  	_ =	shalt  }
0x7a: {  	_ =	shalt  }
0x7b: {  	_ =	shalt  }
0x7c: {  	_ =	shalt  }
0x7d: {  	_ =	shalt  }
0x7e: {  	_ =	shalt  }
0x7f: {  	_ =	shalt  }
0x80: {  	_ =	shalt  }
0x81: {  	_ =	shalt  }
0x82: {  	_ =	shalt  }
0x83: {  	_ =	shalt  }
0x84: {  	_ =	shalt  }
0x85: {  	_ =	shalt  }
0x86: {  	_ =	shalt  }
0x87: {  	_ =	shalt  }
.Lfunc_end0:
.L_simem_size_0:
called_computation_lowered:
.L_overlay_start_0:
0x88: {  	s2 =	sld [smem:$0x3FD9]  }
0x89: {  	s3 =	sld [smem:$0x3FFE];
	_ =	sdelay $0x1  }
0x8a: {  	s1 =	srdreg.scid  }
0x8b: {  	s0 =	sand.u32 $0x1, s1  }
0x8c: {  	s14 =	sshll.u32 s0, $0xA;
	s2 =	sadd.s32 s3, s2  }
0x8d: {  	s2 =	sadd.s32 s2, s14  }
0x8e: {  	[smem:$0x3FC4] =	sst s2  }
0x8f: {  	_ = 	snop  }
0x90: {  	s2 =	sld [smem:$0x3FD0];
	_ =	sdelay $0x2  }
0x91: {  	s4 =	simm.s32 $0xA;
	s5 =	simm.s32 $0x10;
	s15 =	sld [smem:$0x3FC6]  }
0x92: {  	[smem:s5], [sflag:s4] =	dma.local [hbm:s2], $0x1  }
0x93: {  	_ =	swait.eq [sflag:s4], $0x1  }
0x94: {  	s16 =	sld [smem:$0x10];
	[sflag:s4] =	ssyncset.done $0x0  }
0x95: {  	s17 =	sld [smem:$0x12];
	[sflag:s4] =	ssyncadd.s32 $0xFFFFFFFF  }
0x96: {  	s18 =	sld [smem:$0x14];
	(tm) =	ssettm $0x1  }
0x97: {  	s6 =	sld [smem:$0x3FFB];
	_ =	sdelay $0x3  }
0x98: {  	_ =	strace s6  }
0x99: {  	s6 =	sld [smem:$0x3FFC];
	_ =	sdelay $0x3  }
0x9a: {  	_ =	strace s6  }
0x9b: {  	s6 =	sld [smem:$0x3FFD];
	_ =	sdelay $0x3  }
0x9c: {  	_ =	strace s6  }
0x9d: {  	_ =	strace $0x8FFFFFFF  }
0x9e: {  	s19 =	sld [smem:$0x3FDB];
	_ =	sdelay $0x1  }
0x9f: {  	s7 =	simm.s32 $_scs_section_size  }
0xa0: {  	s8 =	simm.s32 $_size__tile_overlayer_lowered;
	s9 =	simm.s32 $_tile_overlayer_lowered  }
0xa1: {  	s22 =	simm.s32 $0x1BFF;
	s21 =	sshll.u32 s9, $0x1;
	s6 =	sadd.s32 s7, s19  }
0xa2: {  	s10 =	simm.s32 $0x0;
	s20 =	sshll.u32 s8, $0x1;
	s8 =	sadd.s32 s21, s6  }
0xa3: {  	[timem:s10], [sflag:s22] =	dma.local [hbm:s8], s20  }
0xa4: {  	_ =	swait.ge [sflag:s22], s20  }
0xa5: {  	s7 =	ssub.s32 $0x0, s20;
	[sflag:s22] =	ssyncset.done $0x0  }
0xa6: {  	[sflag:s22] =	ssyncadd.s32 s7;
	_ =	sdelay $0x1  }
0xa7: {  	s23 =	simm.s32 $0x1B8B  }
0xa8: {  	_ =	swait.ge [sflag:s23], $0x1  }
0xa9: {  	[sflag:s23] =	ssyncset.done $0x0  }
0xaa: {  	s25 =	simm.s32 $0x1B8E;
	s24 =	sld [smem:$0x3FFE];
	[sflag:s23] =	ssyncadd.s32 $0xFFFFFFFF  }
0xab: {  	s26 =	simm.s32 $execute0_lowered;
	[smem:$0x3FD2] =	sst s25  }
0xac: {  	s8 =	sshll.u32 s26, $0x1;
	_ =	strace $0x80000046;
	[dreg:$0x1] =	wrdreg $0xFFFFFFFF  }
0xad: {  	s28 =	simm.s32 $_size_execute0_lowered;
	s6 =	sadd.s32 s6, s8;
	[dreg:$0x0] =	wrdreg $0x0  }
0xae: {  	s8 =	sshll.u32 s28, $0x1;
	[dreg:$0x2] =	wrdreg s6  }
0xaf: {  	[dreg:$0x3] =	wrdreg s8  }
0xb0: {  	[dreg:$0x4] =	wrdreg $0xC0  }
0xb1: {  	_ =	task [dreg:s10], $0x5FFFF  }
0xb2: {  	[dreg:$0x1] =	wrdreg $0xFFFFFFFF  }
0xb3: {  	[dreg:$0x0] =	wrdreg $0x60  }
0xb4: {  	[dreg:$0x2] =	wrdreg s15  }
0xb5: {  	[dreg:$0x3] =	wrdreg s24  }
0xb6: {  	[dreg:$0x4] =	wrdreg s16  }
0xb7: {  	[dreg:$0x5] =	wrdreg s17  }
0xb8: {  	[dreg:$0x6] =	wrdreg s18  }
0xb9: {  	[dreg:$0x7] =	wrdreg $0x9  }
0xba: {  	_ =	task.clear_ibuf [dreg:s10], $0x8FFFF;
	_ =	strace $0x90000046  }
0xbb: {  	s29 =	simm.s32 $0x9;
	_ =	strace $0x80000048  }
0xbc: {  	_ =	swait.ge [sflag:s29], $0x1  }
0xbd: {  	[sflag:s29] =	ssyncadd.s32 $0xFFFFFFFF  }
0xbe: {  	_ =	strace $0x90000048  }
0xbf: {  	_ =	sfence  }
0xc0: {  	s30 =	sld [smem:$0x0];
	_ =	sdelay $0x2  }
0xc1: {  	s31 =	sshll.u32 s1, $0xD;
	s1 =	sshrl.u32 s1, $0x2  }
0xc2: {  	s3 =	sand.u32 $0x4000, s31;
	s1 =	sadd.s32 s1, s30  }
0xc3: {  	s0 =	sor.u32 s3, s0;
	s1 =	sshll.u32 s1, $0x11  }
0xc4: {  	s0 =	sor.u32 s1, s0  }
0xc5: {  	s0 =	sadd.s32 $0x8F2B, s0  }
0xc6: {  	[sflag:s0] =	ssyncadd.remote.s32 $0x1  }
0xc7: {  	_ =	sfence.sel $0xFFFF  }
0xc8: {  	[dreg:$0x0] =	wrdreg $0xFFFFFFFF;
	(pc) =	sbr.abs _section_cstart, $3  }
0xc9: {  	[dreg:$0x1] =	wrdreg $0xFFFFFFFF  }
0xca: {  	_ =	task.clear_ibuf [dreg:s10], $0x2FFFF;
	_ =	strace $0x9FFFFFFF  }
0xcb: {  	(tm) =	ssettm $0x7FFFFFFF  }
tec
execute0_lowered:
.L_overlay_start_1:
0x0: {  	(tag) =	ssettag $0x1  }
0x1: {  	s1 =	rddreg [dreg:$0x0]  }
0x2: {  	s0 =	rddreg [dreg:$0x1]  }
0x3: {  	s4 =	rddreg [dreg:$0x2]  }
0x4: {  	s2 =	srdreg.scid;
	s5 =	rddreg [dreg:$0x3]  }
0x5: {  	s3 =	stileid.u32;
	s7 =	rddreg [dreg:$0x4];
	s11 =	simm.s32 $0x880  }
0x6: {  	s12 =	simm.s32 $0x1080;
	s13 =	simm.s32 $0x1880;
	s14 =	simm.s32 $0x2080  }
0x7: {  	s15 =	simm.s32 $0x2880;
	s16 =	simm.s32 $0x3080;
	s17 =	simm.s32 $0x3880  }
0x8: {  	s18 =	simm.s32 $0x4080;
	s19 =	simm.s32 $0x4880;
	s20 =	simm.s32 $0x5080  }
0x9: {  	s28 =	simm.s32 $0x8880;
	s29 =	simm.s32 $0x9080;
	s2 =	sand.u32 $0x1, s2  }
0xa: {  	s30 =	simm.s32 $0x9880;
	s3 =	sshll.u32 s3, $0x5;
	s6 =	sshll.u32 s2, $0x4  }
0xb: {  	s31 =	simm.s32 $0xA080;
	s2 =	ssub.s32 $0x2, s2;
	s6 =	sor.u32 s6, s3  }
0xc: {  	s3 =	simm.s32 $0x0;
	s24 =	sshrl.u32 s2, $0x1;
	s8 =	smul.u32 $0x300, s6  }
0xd: {  	[smem:$0x7FF] =	sst s3;
	s6 =	sadd.s32 s0, s6;
	s2 =	ssub.s32 s2, s24  }
0xe: {  	s0 =	simm.s32 $0x80;
	s24 =	simm.s32 $0x7080;
	_ =	strace $0x80000047  }
0xf: {  	s22 =	sadd.s32 $0x200, s6;
	[dreg:$0xb] =	wrdreg s6;
	s25 =	sadd.s32 $0x400, s6  }
0x10: {  	s6 =	sadd.s32 $0x200, s1;
	s21 =	sadd.s32 s4, s8;
	[dreg:$0x7] =	wrdreg s22  }
0x11: {  	s23 =	sadd.s32 s5, s8;
	[dreg:$0x9] =	wrdreg s25;
	s26 =	sadd.s32 s7, s8  }
0x12: {  	s5 =	sadd.s32 $0x100, s1;
	s7 =	smax.u32 s2, $0x1;
	[dreg:$0x6] =	wrdreg s21  }
0x13: {  	v2 =	vlaneseq.u32;
	s8 =	simm.s32 $0x2;
	s4 =	simm.s32 $0x1;
	[dreg:$0x8] =	wrdreg s23  }
0x14: {  	vm0 =	vmmov $0xffff;
	v1 =	vshrl.u32 v2, $0x3;
	s22 =	simm.s32 $0x6080;
	s25 =	simm.s32 $0x7880;
	[dreg:$0xa] =	wrdreg s26  }
0x15: {  	v0 =	vand.u32 $0x7, v2;
	v2 =	vor.u32 $0x8, v2;
	v1 =	vmul.u32 $0x8, v1;
	s21 =	simm.s32 $0x5880;
	s23 =	simm.s32 $0x6880;
	s26 =	simm.s32 $0x8080  }
.LBB2_1:
0x16: {  	s10 =	rddreg [dreg:$0xb]  }
0x17: {  	[tilespmem:s3], [sflag:$0x2] =	stream.linear.gather [hbm4b:s10+s3], $0x80, $0x38;
	[tilespmem:$0x18080] =	vst v63  }
0x18: {  	_ =	swait.ge [sflag:s8], $0x80  }
0x19: {  	[sflag:s8] =	ssyncset.done $0x0  }
0x1a: {  	[sflag:s8] =	ssyncadd.s32 $0xFFFFFF80  }
0x1b: {  	v3 =	vld [tilespmem:$0x0];
	_ =	sdelay $0x4  }
0x1c: {  	v4 =	vshrl.u32 v3, $0x3  }
0x1d: {  	v4 =	vmul.u32 $0x30, v4  }
0x1e: {  	v3 =	vand.u32 $0x7, v3  }
0x1f: {  	v3 =	vor.u32 v3, v4  }
0x20: {  	v4 =	vperm.xlane v3, v0;
	_ =	sdelay $0x1  }
0x21: {  	v4 =	vadd.s32 v1, v4;
	_ =	sdelay $0x3  }
0x22: {  	v3 =	vperm.xlane v3, v2  }
0x23: {  	[tilespmem:s0], [sflag:$0x1] =	stream.indirect_vreg.gather [hbm4b:s1+s3], $0x80, v4, vm0, $0xb8;
	[tilespmem:$0x18080] =	vst v63  }
0x24: {  	v3 =	vadd.s32 v1, v3  }
0x25: {  	[tilespmem:s11], [sflag:$0x1] =	stream.indirect_vreg.gather [hbm4b:s5+s3], $0x80, v4, vm0, $0xb8;
	[tilespmem:$0x18080] =	vst v63  }
0x26: {  	_ = 	snop  }
0x27: {  	[tilespmem:s12], [sflag:$0x1] =	stream.indirect_vreg.gather [hbm4b:s6+s3], $0x80, v4, vm0, $0xb8;
	[tilespmem:$0x18080] =	vst v63  }
0x28: {  	_ = 	snop  }
0x29: {  	[tilespmem:s13], [sflag:$0x1] =	stream.indirect_vreg.gather [hbm4b:s1+s3], $0x80, v3, vm0, $0xb8;
	[tilespmem:$0x18080] =	vst v63  }
0x2a: {  	_ = 	snop  }
0x2b: {  	[tilespmem:s14], [sflag:$0x1] =	stream.indirect_vreg.gather [hbm4b:s5+s3], $0x80, v3, vm0, $0xb8;
	[tilespmem:$0x18080] =	vst v63  }
0x2c: {  	_ = 	snop  }
0x2d: {  	[tilespmem:s15], [sflag:$0x1] =	stream.indirect_vreg.gather [hbm4b:s6+s3], $0x80, v3, vm0, $0xb8;
	[tilespmem:$0x18080] =	vst v63  }
0x2e: {  	v3 =	vld [tilespmem:$0x10];
	_ =	sdelay $0x4  }
0x2f: {  	v41 =	vshrl.u32 v3, $0x3  }
0x30: {  	v4 =	vmul.u32 $0x30, v41  }
0x31: {  	v3 =	vand.u32 $0x7, v3  }
0x32: {  	v3 =	vor.u32 v3, v4  }
0x33: {  	v4 =	vperm.xlane v3, v0;
	_ =	sdelay $0x1  }
0x34: {  	v4 =	vadd.s32 v1, v4;
	_ =	sdelay $0x3  }
0x35: {  	v3 =	vperm.xlane v3, v2  }
0x36: {  	[tilespmem:s16], [sflag:$0x1] =	stream.indirect_vreg.gather [hbm4b:s1+s3], $0x80, v4, vm0, $0xb8;
	[tilespmem:$0x18080] =	vst v63  }
0x37: {  	v3 =	vadd.s32 v1, v3  }
0x38: {  	[tilespmem:s17], [sflag:$0x1] =	stream.indirect_vreg.gather [hbm4b:s5+s3], $0x80, v4, vm0, $0xb8;
	[tilespmem:$0x18080] =	vst v63  }
0x39: {  	_ = 	snop  }
0x3a: {  	[tilespmem:s18], [sflag:$0x1] =	stream.indirect_vreg.gather [hbm4b:s6+s3], $0x80, v4, vm0, $0xb8;
	[tilespmem:$0x18080] =	vst v63  }
0x3b: {  	_ = 	snop  }
0x3c: {  	[tilespmem:s19], [sflag:$0x1] =	stream.indirect_vreg.gather [hbm4b:s1+s3], $0x80, v3, vm0, $0xb8;
	[tilespmem:$0x18080] =	vst v63  }
0x3d: {  	_ = 	snop  }
0x3e: {  	[tilespmem:s20], [sflag:$0x1] =	stream.indirect_vreg.gather [hbm4b:s5+s3], $0x80, v3, vm0, $0xb8;
	[tilespmem:$0x18080] =	vst v63  }
0x3f: {  	_ = 	snop  }
0x40: {  	[tilespmem:s21], [sflag:$0x1] =	stream.indirect_vreg.gather [hbm4b:s6+s3], $0x80, v3, vm0, $0xb8;
	[tilespmem:$0x18080] =	vst v63  }
0x41: {  	v3 =	vld [tilespmem:$0x20];
	_ =	sdelay $0x4  }
0x42: {  	v42 =	vshrl.u32 v3, $0x3  }
0x43: {  	v4 =	vmul.u32 $0x30, v42  }
0x44: {  	v3 =	vand.u32 $0x7, v3  }
0x45: {  	v3 =	vor.u32 v3, v4  }
0x46: {  	v4 =	vperm.xlane v3, v0;
	_ =	sdelay $0x1  }
0x47: {  	v4 =	vadd.s32 v1, v4;
	_ =	sdelay $0x3  }
0x48: {  	v3 =	vperm.xlane v3, v2  }
0x49: {  	[tilespmem:s22], [sflag:$0x1] =	stream.indirect_vreg.gather [hbm4b:s1+s3], $0x80, v4, vm0, $0xb8;
	[tilespmem:$0x18080] =	vst v63  }
0x4a: {  	v3 =	vadd.s32 v1, v3  }
0x4b: {  	[tilespmem:s23], [sflag:$0x1] =	stream.indirect_vreg.gather [hbm4b:s5+s3], $0x80, v4, vm0, $0xb8;
	[tilespmem:$0x18080] =	vst v63  }
0x4c: {  	_ = 	snop  }
0x4d: {  	[tilespmem:s24], [sflag:$0x1] =	stream.indirect_vreg.gather [hbm4b:s6+s3], $0x80, v4, vm0, $0xb8;
	[tilespmem:$0x18080] =	vst v63  }
0x4e: {  	_ = 	snop  }
0x4f: {  	[tilespmem:s25], [sflag:$0x1] =	stream.indirect_vreg.gather [hbm4b:s1+s3], $0x80, v3, vm0, $0xb8;
	[tilespmem:$0x18080] =	vst v63  }
0x50: {  	_ = 	snop  }
0x51: {  	[tilespmem:s26], [sflag:$0x1] =	stream.indirect_vreg.gather [hbm4b:s5+s3], $0x80, v3, vm0, $0xb8;
	[tilespmem:$0x18080] =	vst v63  }
0x52: {  	_ = 	snop  }
0x53: {  	[tilespmem:s28], [sflag:$0x1] =	stream.indirect_vreg.gather [hbm4b:s6+s3], $0x80, v3, vm0, $0xb8;
	[tilespmem:$0x18080] =	vst v63  }
0x54: {  	v3 =	vld [tilespmem:$0x30];
	_ =	sdelay $0x4  }
0x55: {  	v43 =	vshrl.u32 v3, $0x3  }
0x56: {  	v4 =	vmul.u32 $0x30, v43  }
0x57: {  	v3 =	vand.u32 $0x7, v3  }
0x58: {  	v3 =	vor.u32 v3, v4  }
0x59: {  	v4 =	vperm.xlane v3, v0;
	_ =	sdelay $0x1  }
0x5a: {  	v4 =	vadd.s32 v1, v4;
	_ =	sdelay $0x3  }
0x5b: {  	v3 =	vperm.xlane v3, v2  }
0x5c: {  	[tilespmem:s29], [sflag:$0x1] =	stream.indirect_vreg.gather [hbm4b:s1+s3], $0x80, v4, vm0, $0xb8;
	[tilespmem:$0x18080] =	vst v63  }
0x5d: {  	v3 =	vadd.s32 v1, v3  }
0x5e: {  	[tilespmem:s30], [sflag:$0x1] =	stream.indirect_vreg.gather [hbm4b:s5+s3], $0x80, v4, vm0, $0xb8;
	[tilespmem:$0x18080] =	vst v63  }
0x5f: {  	_ = 	snop  }
0x60: {  	[tilespmem:s31], [sflag:$0x1] =	stream.indirect_vreg.gather [hbm4b:s6+s3], $0x80, v4, vm0, $0xb8;
	[tilespmem:$0x18080] =	vst v63  }
0x61: {  	s2 =	simm.s32 $0xA880  }
0x62: {  	[tilespmem:s2], [sflag:$0x1] =	stream.indirect_vreg.gather [hbm4b:s1+s3], $0x80, v3, vm0, $0xb8;
	[tilespmem:$0x18080] =	vst v63  }
0x63: {  	s9 =	simm.s32 $0xB080  }
0x64: {  	[tilespmem:s9], [sflag:$0x1] =	stream.indirect_vreg.gather [hbm4b:s5+s3], $0x80, v3, vm0, $0xb8;
	[tilespmem:$0x18080] =	vst v63  }
0x65: {  	s9 =	simm.s32 $0xB880  }
0x66: {  	[tilespmem:s9], [sflag:$0x1] =	stream.indirect_vreg.gather [hbm4b:s6+s3], $0x80, v3, vm0, $0xb8;
	[tilespmem:$0x18080] =	vst v63  }
0x67: {  	v3 =	vld [tilespmem:$0x40];
	_ =	sdelay $0x4  }
0x68: {  	v44 =	vshrl.u32 v3, $0x3  }
0x69: {  	v4 =	vmul.u32 $0x30, v44  }
0x6a: {  	v3 =	vand.u32 $0x7, v3  }
0x6b: {  	v3 =	vor.u32 v3, v4  }
0x6c: {  	v4 =	vperm.xlane v3, v0;
	_ =	sdelay $0x1  }
0x6d: {  	v4 =	vadd.s32 v1, v4;
	_ =	sdelay $0x3  }
0x6e: {  	s10 =	simm.s32 $0xC080;
	v3 =	vperm.xlane v3, v2  }
0x6f: {  	[tilespmem:s10], [sflag:$0x1] =	stream.indirect_vreg.gather [hbm4b:s1+s3], $0x80, v4, vm0, $0xb8;
	[tilespmem:$0x18080] =	vst v63  }
0x70: {  	v3 =	vadd.s32 v1, v3;
	s10 =	simm.s32 $0xC880  }
0x71: {  	[tilespmem:s10], [sflag:$0x1] =	stream.indirect_vreg.gather [hbm4b:s5+s3], $0x80, v4, vm0, $0xb8;
	[tilespmem:$0x18080] =	vst v63  }
0x72: {  	s10 =	simm.s32 $0xD080  }
0x73: {  	[tilespmem:s10], [sflag:$0x1] =	stream.indirect_vreg.gather [hbm4b:s6+s3], $0x80, v4, vm0, $0xb8;
	[tilespmem:$0x18080] =	vst v63  }
0x74: {  	s10 =	simm.s32 $0xD880  }
0x75: {  	[tilespmem:s10], [sflag:$0x1] =	stream.indirect_vreg.gather [hbm4b:s1+s3], $0x80, v3, vm0, $0xb8;
	[tilespmem:$0x18080] =	vst v63  }
0x76: {  	s10 =	simm.s32 $0xE080  }
0x77: {  	[tilespmem:s10], [sflag:$0x1] =	stream.indirect_vreg.gather [hbm4b:s5+s3], $0x80, v3, vm0, $0xb8;
	[tilespmem:$0x18080] =	vst v63  }
0x78: {  	s10 =	simm.s32 $0xE880  }
0x79: {  	[tilespmem:s10], [sflag:$0x1] =	stream.indirect_vreg.gather [hbm4b:s6+s3], $0x80, v3, vm0, $0xb8;
	[tilespmem:$0x18080] =	vst v63  }
0x7a: {  	v3 =	vld [tilespmem:$0x50];
	_ =	sdelay $0x4  }
0x7b: {  	v45 =	vshrl.u32 v3, $0x3  }
0x7c: {  	v4 =	vmul.u32 $0x30, v45  }
0x7d: {  	v3 =	vand.u32 $0x7, v3  }
0x7e: {  	v3 =	vor.u32 v3, v4  }
0x7f: {  	v4 =	vperm.xlane v3, v0;
	_ =	sdelay $0x1  }
0x80: {  	v4 =	vadd.s32 v1, v4;
	_ =	sdelay $0x3  }
0x81: {  	s10 =	simm.s32 $0xF080;
	v3 =	vperm.xlane v3, v2  }
0x82: {  	[tilespmem:s10], [sflag:$0x1] =	stream.indirect_vreg.gather [hbm4b:s1+s3], $0x80, v4, vm0, $0xb8;
	[tilespmem:$0x18080] =	vst v63  }
0x83: {  	v3 =	vadd.s32 v1, v3;
	s10 =	simm.s32 $0xF880  }
0x84: {  	[tilespmem:s10], [sflag:$0x1] =	stream.indirect_vreg.gather [hbm4b:s5+s3], $0x80, v4, vm0, $0xb8;
	[tilespmem:$0x18080] =	vst v63  }
0x85: {  	s10 =	simm.s32 $0x10080  }
0x86: {  	[tilespmem:s10], [sflag:$0x1] =	stream.indirect_vreg.gather [hbm4b:s6+s3], $0x80, v4, vm0, $0xb8;
	[tilespmem:$0x18080] =	vst v63  }
0x87: {  	s10 =	simm.s32 $0x10880  }
0x88: {  	[tilespmem:s10], [sflag:$0x1] =	stream.indirect_vreg.gather [hbm4b:s1+s3], $0x80, v3, vm0, $0xb8;
	[tilespmem:$0x18080] =	vst v63  }
0x89: {  	s10 =	simm.s32 $0x11080  }
0x8a: {  	[tilespmem:s10], [sflag:$0x1] =	stream.indirect_vreg.gather [hbm4b:s5+s3], $0x80, v3, vm0, $0xb8;
	[tilespmem:$0x18080] =	vst v63  }
0x8b: {  	s10 =	simm.s32 $0x11880  }
0x8c: {  	[tilespmem:s10], [sflag:$0x1] =	stream.indirect_vreg.gather [hbm4b:s6+s3], $0x80, v3, vm0, $0xb8;
	[tilespmem:$0x18080] =	vst v63  }
0x8d: {  	v3 =	vld [tilespmem:$0x60];
	_ =	sdelay $0x4  }
0x8e: {  	v46 =	vshrl.u32 v3, $0x3  }
0x8f: {  	v4 =	vmul.u32 $0x30, v46  }
0x90: {  	v3 =	vand.u32 $0x7, v3  }
0x91: {  	v3 =	vor.u32 v3, v4  }
0x92: {  	v4 =	vperm.xlane v3, v0;
	_ =	sdelay $0x1  }
0x93: {  	v4 =	vadd.s32 v1, v4;
	_ =	sdelay $0x3  }
0x94: {  	s10 =	simm.s32 $0x12080;
	v3 =	vperm.xlane v3, v2  }
0x95: {  	[tilespmem:s10], [sflag:$0x1] =	stream.indirect_vreg.gather [hbm4b:s1+s3], $0x80, v4, vm0, $0xb8;
	[tilespmem:$0x18080] =	vst v63  }
0x96: {  	v3 =	vadd.s32 v1, v3;
	s10 =	simm.s32 $0x12880  }
0x97: {  	[tilespmem:s10], [sflag:$0x1] =	stream.indirect_vreg.gather [hbm4b:s5+s3], $0x80, v4, vm0, $0xb8;
	[tilespmem:$0x18080] =	vst v63  }
0x98: {  	s10 =	simm.s32 $0x13080  }
0x99: {  	[tilespmem:s10], [sflag:$0x1] =	stream.indirect_vreg.gather [hbm4b:s6+s3], $0x80, v4, vm0, $0xb8;
	[tilespmem:$0x18080] =	vst v63  }
0x9a: {  	s10 =	simm.s32 $0x13880  }
0x9b: {  	[tilespmem:s10], [sflag:$0x1] =	stream.indirect_vreg.gather [hbm4b:s1+s3], $0x80, v3, vm0, $0xb8;
	[tilespmem:$0x18080] =	vst v63  }
0x9c: {  	s10 =	simm.s32 $0x14080  }
0x9d: {  	[tilespmem:s10], [sflag:$0x1] =	stream.indirect_vreg.gather [hbm4b:s5+s3], $0x80, v3, vm0, $0xb8;
	[tilespmem:$0x18080] =	vst v63  }
0x9e: {  	s10 =	simm.s32 $0x14880  }
0x9f: {  	[tilespmem:s10], [sflag:$0x1] =	stream.indirect_vreg.gather [hbm4b:s6+s3], $0x80, v3, vm0, $0xb8;
	[tilespmem:$0x18080] =	vst v63  }
0xa0: {  	v3 =	vld [tilespmem:$0x70];
	_ =	sdelay $0x4  }
0xa1: {  	v47 =	vshrl.u32 v3, $0x3  }
0xa2: {  	v4 =	vmul.u32 $0x30, v47  }
0xa3: {  	v3 =	vand.u32 $0x7, v3  }
0xa4: {  	v3 =	vor.u32 v3, v4  }
0xa5: {  	v4 =	vperm.xlane v3, v0;
	_ =	sdelay $0x1  }
0xa6: {  	v4 =	vadd.s32 v1, v4;
	_ =	sdelay $0x3  }
0xa7: {  	s10 =	simm.s32 $0x15080;
	v3 =	vperm.xlane v3, v2  }
0xa8: {  	[tilespmem:s10], [sflag:$0x1] =	stream.indirect_vreg.gather [hbm4b:s1+s3], $0x80, v4, vm0, $0xb8;
	[tilespmem:$0x18080] =	vst v63  }
0xa9: {  	v3 =	vadd.s32 v1, v3;
	s10 =	simm.s32 $0x15880  }
0xaa: {  	[tilespmem:s10], [sflag:$0x1] =	stream.indirect_vreg.gather [hbm4b:s5+s3], $0x80, v4, vm0, $0xb8;
	[tilespmem:$0x18080] =	vst v63  }
0xab: {  	s10 =	simm.s32 $0x16080  }
0xac: {  	[tilespmem:s10], [sflag:$0x1] =	stream.indirect_vreg.gather [hbm4b:s6+s3], $0x80, v4, vm0, $0xb8;
	[tilespmem:$0x18080] =	vst v63  }
0xad: {  	s10 =	simm.s32 $0x16880  }
0xae: {  	[tilespmem:s10], [sflag:$0x1] =	stream.indirect_vreg.gather [hbm4b:s1+s3], $0x80, v3, vm0, $0xb8;
	[tilespmem:$0x18080] =	vst v63  }
0xaf: {  	s10 =	simm.s32 $0x17080  }
0xb0: {  	[tilespmem:s10], [sflag:$0x1] =	stream.indirect_vreg.gather [hbm4b:s5+s3], $0x80, v3, vm0, $0xb8;
	[tilespmem:$0x18080] =	vst v63  }
0xb1: {  	s10 =	simm.s32 $0x17880  }
0xb2: {  	[tilespmem:s10], [sflag:$0x1] =	stream.indirect_vreg.gather [hbm4b:s6+s3], $0x80, v3, vm0, $0xb8;
	[tilespmem:$0x18080] =	vst v63  }
0xb3: {  	_ =	swait.ge [sflag:s4], $0x18000  }
0xb4: {  	[sflag:s4] =	ssyncset.done $0x0  }
0xb5: {  	s10 =	rddreg [dreg:$0x6];
	[sflag:s4] =	ssyncadd.s32 $0xFFFE8000  }
0xb6: {  	[hbm4b:s10+s3] =	stream.linear.scatter [tilespmem:s0], [sflag:$0x2], $0x18000, $0x38;
	[tilespmem:$0x18080] =	vst v63  }
0xb7: {  	_ =	swait.ge [sflag:s8], $0x18000  }
0xb8: {  	[sflag:s8] =	ssyncset.done $0x0  }
0xb9: {  	s10 =	rddreg [dreg:$0x7];
	[sflag:s8] =	ssyncadd.s32 $0xFFFE8000  }
0xba: {  	[tilespmem:s3], [sflag:$0x2] =	stream.linear.gather [hbm4b:s10+s3], $0x80, $0x38;
	[tilespmem:$0x18080] =	vst v63  }
0xbb: {  	_ =	swait.ge [sflag:s8], $0x80  }
0xbc: {  	[sflag:s8] =	ssyncset.done $0x0  }
0xbd: {  	[sflag:s8] =	ssyncadd.s32 $0xFFFFFF80  }
0xbe: {  	v3 =	vld [tilespmem:$0x0];
	_ =	sdelay $0x4  }
0xbf: {  	v48 =	vshrl.u32 v3, $0x3  }
0xc0: {  	v4 =	vmul.u32 $0x30, v48  }
0xc1: {  	v3 =	vand.u32 $0x7, v3  }
0xc2: {  	v3 =	vor.u32 v3, v4  }
0xc3: {  	v4 =	vperm.xlane v3, v0;
	_ =	sdelay $0x1  }
0xc4: {  	v4 =	vadd.s32 v1, v4;
	_ =	sdelay $0x3  }
0xc5: {  	v3 =	vperm.xlane v3, v2  }
0xc6: {  	[tilespmem:s0], [sflag:$0x1] =	stream.indirect_vreg.gather [hbm4b:s1+s3], $0x80, v4, vm0, $0xb8;
	[tilespmem:$0x18080] =	vst v63  }
0xc7: {  	v3 =	vadd.s32 v1, v3  }
0xc8: {  	[tilespmem:s11], [sflag:$0x1] =	stream.indirect_vreg.gather [hbm4b:s5+s3], $0x80, v4, vm0, $0xb8;
	[tilespmem:$0x18080] =	vst v63  }
0xc9: {  	_ = 	snop  }
0xca: {  	[tilespmem:s12], [sflag:$0x1] =	stream.indirect_vreg.gather [hbm4b:s6+s3], $0x80, v4, vm0, $0xb8;
	[tilespmem:$0x18080] =	vst v63  }
0xcb: {  	_ = 	snop  }
0xcc: {  	[tilespmem:s13], [sflag:$0x1] =	stream.indirect_vreg.gather [hbm4b:s1+s3], $0x80, v3, vm0, $0xb8;
	[tilespmem:$0x18080] =	vst v63  }
0xcd: {  	_ = 	snop  }
0xce: {  	[tilespmem:s14], [sflag:$0x1] =	stream.indirect_vreg.gather [hbm4b:s5+s3], $0x80, v3, vm0, $0xb8;
	[tilespmem:$0x18080] =	vst v63  }
0xcf: {  	_ = 	snop  }
0xd0: {  	[tilespmem:s15], [sflag:$0x1] =	stream.indirect_vreg.gather [hbm4b:s6+s3], $0x80, v3, vm0, $0xb8;
	[tilespmem:$0x18080] =	vst v63  }
0xd1: {  	v3 =	vld [tilespmem:$0x10];
	_ =	sdelay $0x4  }
0xd2: {  	v49 =	vshrl.u32 v3, $0x3  }
0xd3: {  	v4 =	vmul.u32 $0x30, v49  }
0xd4: {  	v3 =	vand.u32 $0x7, v3  }
0xd5: {  	v3 =	vor.u32 v3, v4  }
0xd6: {  	v4 =	vperm.xlane v3, v0;
	_ =	sdelay $0x1  }
0xd7: {  	v4 =	vadd.s32 v1, v4;
	_ =	sdelay $0x3  }
0xd8: {  	v3 =	vperm.xlane v3, v2  }
0xd9: {  	[tilespmem:s16], [sflag:$0x1] =	stream.indirect_vreg.gather [hbm4b:s1+s3], $0x80, v4, vm0, $0xb8;
	[tilespmem:$0x18080] =	vst v63  }
0xda: {  	v3 =	vadd.s32 v1, v3  }
0xdb: {  	[tilespmem:s17], [sflag:$0x1] =	stream.indirect_vreg.gather [hbm4b:s5+s3], $0x80, v4, vm0, $0xb8;
	[tilespmem:$0x18080] =	vst v63  }
0xdc: {  	_ = 	snop  }
0xdd: {  	[tilespmem:s18], [sflag:$0x1] =	stream.indirect_vreg.gather [hbm4b:s6+s3], $0x80, v4, vm0, $0xb8;
	[tilespmem:$0x18080] =	vst v63  }
0xde: {  	_ = 	snop  }
0xdf: {  	[tilespmem:s19], [sflag:$0x1] =	stream.indirect_vreg.gather [hbm4b:s1+s3], $0x80, v3, vm0, $0xb8;
	[tilespmem:$0x18080] =	vst v63  }
0xe0: {  	_ = 	snop  }
0xe1: {  	[tilespmem:s20], [sflag:$0x1] =	stream.indirect_vreg.gather [hbm4b:s5+s3], $0x80, v3, vm0, $0xb8;
	[tilespmem:$0x18080] =	vst v63  }
0xe2: {  	_ = 	snop  }
0xe3: {  	[tilespmem:s21], [sflag:$0x1] =	stream.indirect_vreg.gather [hbm4b:s6+s3], $0x80, v3, vm0, $0xb8;
	[tilespmem:$0x18080] =	vst v63  }
0xe4: {  	v3 =	vld [tilespmem:$0x20];
	_ =	sdelay $0x4  }
0xe5: {  	v50 =	vshrl.u32 v3, $0x3  }
0xe6: {  	v4 =	vmul.u32 $0x30, v50  }
0xe7: {  	v3 =	vand.u32 $0x7, v3  }
0xe8: {  	v3 =	vor.u32 v3, v4  }
0xe9: {  	v4 =	vperm.xlane v3, v0;
	_ =	sdelay $0x1  }
0xea: {  	v4 =	vadd.s32 v1, v4;
	_ =	sdelay $0x3  }
0xeb: {  	v3 =	vperm.xlane v3, v2  }
0xec: {  	[tilespmem:s22], [sflag:$0x1] =	stream.indirect_vreg.gather [hbm4b:s1+s3], $0x80, v4, vm0, $0xb8;
	[tilespmem:$0x18080] =	vst v63  }
0xed: {  	v3 =	vadd.s32 v1, v3  }
0xee: {  	[tilespmem:s23], [sflag:$0x1] =	stream.indirect_vreg.gather [hbm4b:s5+s3], $0x80, v4, vm0, $0xb8;
	[tilespmem:$0x18080] =	vst v63  }
0xef: {  	_ = 	snop  }
0xf0: {  	[tilespmem:s24], [sflag:$0x1] =	stream.indirect_vreg.gather [hbm4b:s6+s3], $0x80, v4, vm0, $0xb8;
	[tilespmem:$0x18080] =	vst v63  }
0xf1: {  	_ = 	snop  }
0xf2: {  	[tilespmem:s25], [sflag:$0x1] =	stream.indirect_vreg.gather [hbm4b:s1+s3], $0x80, v3, vm0, $0xb8;
	[tilespmem:$0x18080] =	vst v63  }
0xf3: {  	_ = 	snop  }
0xf4: {  	[tilespmem:s26], [sflag:$0x1] =	stream.indirect_vreg.gather [hbm4b:s5+s3], $0x80, v3, vm0, $0xb8;
	[tilespmem:$0x18080] =	vst v63  }
0xf5: {  	_ = 	snop  }
0xf6: {  	[tilespmem:s28], [sflag:$0x1] =	stream.indirect_vreg.gather [hbm4b:s6+s3], $0x80, v3, vm0, $0xb8;
	[tilespmem:$0x18080] =	vst v63  }
0xf7: {  	v3 =	vld [tilespmem:$0x30];
	_ =	sdelay $0x4  }
0xf8: {  	v51 =	vshrl.u32 v3, $0x3  }
0xf9: {  	v4 =	vmul.u32 $0x30, v51  }
0xfa: {  	v3 =	vand.u32 $0x7, v3  }
0xfb: {  	v3 =	vor.u32 v3, v4  }
0xfc: {  	v4 =	vperm.xlane v3, v0;
	_ =	sdelay $0x1  }
0xfd: {  	v4 =	vadd.s32 v1, v4;
	_ =	sdelay $0x3  }
0xfe: {  	v3 =	vperm.xlane v3, v2  }
0xff: {  	[tilespmem:s29], [sflag:$0x1] =	stream.indirect_vreg.gather [hbm4b:s1+s3], $0x80, v4, vm0, $0xb8;
	[tilespmem:$0x18080] =	vst v63  }
0x100: {  	v3 =	vadd.s32 v1, v3  }
0x101: {  	[tilespmem:s30], [sflag:$0x1] =	stream.indirect_vreg.gather [hbm4b:s5+s3], $0x80, v4, vm0, $0xb8;
	[tilespmem:$0x18080] =	vst v63  }
0x102: {  	_ = 	snop  }
0x103: {  	[tilespmem:s31], [sflag:$0x1] =	stream.indirect_vreg.gather [hbm4b:s6+s3], $0x80, v4, vm0, $0xb8;
	[tilespmem:$0x18080] =	vst v63  }
0x104: {  	_ = 	snop  }
0x105: {  	[tilespmem:s2], [sflag:$0x1] =	stream.indirect_vreg.gather [hbm4b:s1+s3], $0x80, v3, vm0, $0xb8;
	[tilespmem:$0x18080] =	vst v63  }
0x106: {  	s10 =	simm.s32 $0xB080  }
0x107: {  	[tilespmem:s10], [sflag:$0x1] =	stream.indirect_vreg.gather [hbm4b:s5+s3], $0x80, v3, vm0, $0xb8;
	[tilespmem:$0x18080] =	vst v63  }
0x108: {  	_ = 	snop  }
0x109: {  	[tilespmem:s9], [sflag:$0x1] =	stream.indirect_vreg.gather [hbm4b:s6+s3], $0x80, v3, vm0, $0xb8;
	[tilespmem:$0x18080] =	vst v63  }
0x10a: {  	v3 =	vld [tilespmem:$0x40];
	_ =	sdelay $0x4  }
0x10b: {  	v52 =	vshrl.u32 v3, $0x3  }
0x10c: {  	v4 =	vmul.u32 $0x30, v52  }
0x10d: {  	v3 =	vand.u32 $0x7, v3  }
0x10e: {  	v3 =	vor.u32 v3, v4  }
0x10f: {  	v4 =	vperm.xlane v3, v0;
	_ =	sdelay $0x1  }
0x110: {  	v4 =	vadd.s32 v1, v4;
	_ =	sdelay $0x3  }
0x111: {  	s10 =	simm.s32 $0xC080;
	v3 =	vperm.xlane v3, v2  }
0x112: {  	[tilespmem:s10], [sflag:$0x1] =	stream.indirect_vreg.gather [hbm4b:s1+s3], $0x80, v4, vm0, $0xb8;
	[tilespmem:$0x18080] =	vst v63  }
0x113: {  	v3 =	vadd.s32 v1, v3;
	s10 =	simm.s32 $0xC880  }
0x114: {  	[tilespmem:s10], [sflag:$0x1] =	stream.indirect_vreg.gather [hbm4b:s5+s3], $0x80, v4, vm0, $0xb8;
	[tilespmem:$0x18080] =	vst v63  }
0x115: {  	s10 =	simm.s32 $0xD080  }
0x116: {  	[tilespmem:s10], [sflag:$0x1] =	stream.indirect_vreg.gather [hbm4b:s6+s3], $0x80, v4, vm0, $0xb8;
	[tilespmem:$0x18080] =	vst v63  }
0x117: {  	s10 =	simm.s32 $0xD880  }
0x118: {  	[tilespmem:s10], [sflag:$0x1] =	stream.indirect_vreg.gather [hbm4b:s1+s3], $0x80, v3, vm0, $0xb8;
	[tilespmem:$0x18080] =	vst v63  }
0x119: {  	s10 =	simm.s32 $0xE080  }
0x11a: {  	[tilespmem:s10], [sflag:$0x1] =	stream.indirect_vreg.gather [hbm4b:s5+s3], $0x80, v3, vm0, $0xb8;
	[tilespmem:$0x18080] =	vst v63  }
0x11b: {  	s10 =	simm.s32 $0xE880  }
0x11c: {  	[tilespmem:s10], [sflag:$0x1] =	stream.indirect_vreg.gather [hbm4b:s6+s3], $0x80, v3, vm0, $0xb8;
	[tilespmem:$0x18080] =	vst v63  }
0x11d: {  	v3 =	vld [tilespmem:$0x50];
	_ =	sdelay $0x4  }
0x11e: {  	v53 =	vshrl.u32 v3, $0x3  }
0x11f: {  	v4 =	vmul.u32 $0x30, v53  }
0x120: {  	v3 =	vand.u32 $0x7, v3  }
0x121: {  	v3 =	vor.u32 v3, v4  }
0x122: {  	v4 =	vperm.xlane v3, v0;
	_ =	sdelay $0x1  }
0x123: {  	v4 =	vadd.s32 v1, v4;
	_ =	sdelay $0x3  }
0x124: {  	s10 =	simm.s32 $0xF080;
	v3 =	vperm.xlane v3, v2  }
0x125: {  	[tilespmem:s10], [sflag:$0x1] =	stream.indirect_vreg.gather [hbm4b:s1+s3], $0x80, v4, vm0, $0xb8;
	[tilespmem:$0x18080] =	vst v63  }
0x126: {  	v3 =	vadd.s32 v1, v3;
	s10 =	simm.s32 $0xF880  }
0x127: {  	[tilespmem:s10], [sflag:$0x1] =	stream.indirect_vreg.gather [hbm4b:s5+s3], $0x80, v4, vm0, $0xb8;
	[tilespmem:$0x18080] =	vst v63  }
0x128: {  	s10 =	simm.s32 $0x10080  }
0x129: {  	[tilespmem:s10], [sflag:$0x1] =	stream.indirect_vreg.gather [hbm4b:s6+s3], $0x80, v4, vm0, $0xb8;
	[tilespmem:$0x18080] =	vst v63  }
0x12a: {  	s10 =	simm.s32 $0x10880  }
0x12b: {  	[tilespmem:s10], [sflag:$0x1] =	stream.indirect_vreg.gather [hbm4b:s1+s3], $0x80, v3, vm0, $0xb8;
	[tilespmem:$0x18080] =	vst v63  }
0x12c: {  	s10 =	simm.s32 $0x11080  }
0x12d: {  	[tilespmem:s10], [sflag:$0x1] =	stream.indirect_vreg.gather [hbm4b:s5+s3], $0x80, v3, vm0, $0xb8;
	[tilespmem:$0x18080] =	vst v63  }
0x12e: {  	s10 =	simm.s32 $0x11880  }
0x12f: {  	[tilespmem:s10], [sflag:$0x1] =	stream.indirect_vreg.gather [hbm4b:s6+s3], $0x80, v3, vm0, $0xb8;
	[tilespmem:$0x18080] =	vst v63  }
0x130: {  	v3 =	vld [tilespmem:$0x60];
	_ =	sdelay $0x4  }
0x131: {  	v54 =	vshrl.u32 v3, $0x3  }
0x132: {  	v4 =	vmul.u32 $0x30, v54  }
0x133: {  	v3 =	vand.u32 $0x7, v3  }
0x134: {  	v3 =	vor.u32 v3, v4  }
0x135: {  	v4 =	vperm.xlane v3, v0;
	_ =	sdelay $0x1  }
0x136: {  	v4 =	vadd.s32 v1, v4;
	_ =	sdelay $0x3  }
0x137: {  	s10 =	simm.s32 $0x12080;
	v3 =	vperm.xlane v3, v2  }
0x138: {  	[tilespmem:s10], [sflag:$0x1] =	stream.indirect_vreg.gather [hbm4b:s1+s3], $0x80, v4, vm0, $0xb8;
	[tilespmem:$0x18080] =	vst v63  }
0x139: {  	v3 =	vadd.s32 v1, v3;
	s10 =	simm.s32 $0x12880  }
0x13a: {  	[tilespmem:s10], [sflag:$0x1] =	stream.indirect_vreg.gather [hbm4b:s5+s3], $0x80, v4, vm0, $0xb8;
	[tilespmem:$0x18080] =	vst v63  }
0x13b: {  	s10 =	simm.s32 $0x13080  }
0x13c: {  	[tilespmem:s10], [sflag:$0x1] =	stream.indirect_vreg.gather [hbm4b:s6+s3], $0x80, v4, vm0, $0xb8;
	[tilespmem:$0x18080] =	vst v63  }
0x13d: {  	s10 =	simm.s32 $0x13880  }
0x13e: {  	[tilespmem:s10], [sflag:$0x1] =	stream.indirect_vreg.gather [hbm4b:s1+s3], $0x80, v3, vm0, $0xb8;
	[tilespmem:$0x18080] =	vst v63  }
0x13f: {  	s10 =	simm.s32 $0x14080  }
0x140: {  	[tilespmem:s10], [sflag:$0x1] =	stream.indirect_vreg.gather [hbm4b:s5+s3], $0x80, v3, vm0, $0xb8;
	[tilespmem:$0x18080] =	vst v63  }
0x141: {  	s10 =	simm.s32 $0x14880  }
0x142: {  	[tilespmem:s10], [sflag:$0x1] =	stream.indirect_vreg.gather [hbm4b:s6+s3], $0x80, v3, vm0, $0xb8;
	[tilespmem:$0x18080] =	vst v63  }
0x143: {  	v3 =	vld [tilespmem:$0x70];
	_ =	sdelay $0x4  }
0x144: {  	v55 =	vshrl.u32 v3, $0x3  }
0x145: {  	v4 =	vmul.u32 $0x30, v55  }
0x146: {  	v3 =	vand.u32 $0x7, v3  }
0x147: {  	v3 =	vor.u32 v3, v4  }
0x148: {  	v4 =	vperm.xlane v3, v0;
	_ =	sdelay $0x1  }
0x149: {  	v4 =	vadd.s32 v1, v4;
	_ =	sdelay $0x3  }
0x14a: {  	s10 =	simm.s32 $0x15080;
	v3 =	vperm.xlane v3, v2  }
0x14b: {  	[tilespmem:s10], [sflag:$0x1] =	stream.indirect_vreg.gather [hbm4b:s1+s3], $0x80, v4, vm0, $0xb8;
	[tilespmem:$0x18080] =	vst v63  }
0x14c: {  	v3 =	vadd.s32 v1, v3;
	s10 =	simm.s32 $0x15880  }
0x14d: {  	[tilespmem:s10], [sflag:$0x1] =	stream.indirect_vreg.gather [hbm4b:s5+s3], $0x80, v4, vm0, $0xb8;
	[tilespmem:$0x18080] =	vst v63  }
0x14e: {  	s10 =	simm.s32 $0x16080  }
0x14f: {  	[tilespmem:s10], [sflag:$0x1] =	stream.indirect_vreg.gather [hbm4b:s6+s3], $0x80, v4, vm0, $0xb8;
	[tilespmem:$0x18080] =	vst v63  }
0x150: {  	s10 =	simm.s32 $0x16880  }
0x151: {  	[tilespmem:s10], [sflag:$0x1] =	stream.indirect_vreg.gather [hbm4b:s1+s3], $0x80, v3, vm0, $0xb8;
	[tilespmem:$0x18080] =	vst v63  }
0x152: {  	s10 =	simm.s32 $0x17080  }
0x153: {  	[tilespmem:s10], [sflag:$0x1] =	stream.indirect_vreg.gather [hbm4b:s5+s3], $0x80, v3, vm0, $0xb8;
	[tilespmem:$0x18080] =	vst v63  }
0x154: {  	s10 =	simm.s32 $0x17880  }
0x155: {  	[tilespmem:s10], [sflag:$0x1] =	stream.indirect_vreg.gather [hbm4b:s6+s3], $0x80, v3, vm0, $0xb8;
	[tilespmem:$0x18080] =	vst v63  }
0x156: {  	_ =	swait.ge [sflag:s4], $0x18000  }
0x157: {  	[sflag:s4] =	ssyncset.done $0x0  }
0x158: {  	s10 =	rddreg [dreg:$0x8];
	[sflag:s4] =	ssyncadd.s32 $0xFFFE8000  }
0x159: {  	[hbm4b:s10+s3] =	stream.linear.scatter [tilespmem:s0], [sflag:$0x2], $0x18000, $0x38;
	[tilespmem:$0x18080] =	vst v63  }
0x15a: {  	_ =	swait.ge [sflag:s8], $0x18000  }
0x15b: {  	[sflag:s8] =	ssyncset.done $0x0  }
0x15c: {  	s10 =	rddreg [dreg:$0x9];
	[sflag:s8] =	ssyncadd.s32 $0xFFFE8000  }
0x15d: {  	[tilespmem:s3], [sflag:$0x2] =	stream.linear.gather [hbm4b:s10+s3], $0x80, $0x38;
	[tilespmem:$0x18080] =	vst v63  }
0x15e: {  	_ =	swait.ge [sflag:s8], $0x80  }
0x15f: {  	[sflag:s8] =	ssyncset.done $0x0  }
0x160: {  	[sflag:s8] =	ssyncadd.s32 $0xFFFFFF80  }
0x161: {  	v3 =	vld [tilespmem:$0x0];
	_ =	sdelay $0x4  }
0x162: {  	v56 =	vshrl.u32 v3, $0x3  }
0x163: {  	v4 =	vmul.u32 $0x30, v56  }
0x164: {  	v3 =	vand.u32 $0x7, v3  }
0x165: {  	v3 =	vor.u32 v3, v4  }
0x166: {  	v4 =	vperm.xlane v3, v0;
	_ =	sdelay $0x1  }
0x167: {  	v4 =	vadd.s32 v1, v4;
	_ =	sdelay $0x3  }
0x168: {  	v3 =	vperm.xlane v3, v2  }
0x169: {  	[tilespmem:s0], [sflag:$0x1] =	stream.indirect_vreg.gather [hbm4b:s1+s3], $0x80, v4, vm0, $0xb8;
	[tilespmem:$0x18080] =	vst v63  }
0x16a: {  	v3 =	vadd.s32 v1, v3  }
0x16b: {  	[tilespmem:s11], [sflag:$0x1] =	stream.indirect_vreg.gather [hbm4b:s5+s3], $0x80, v4, vm0, $0xb8;
	[tilespmem:$0x18080] =	vst v63  }
0x16c: {  	_ = 	snop  }
0x16d: {  	[tilespmem:s12], [sflag:$0x1] =	stream.indirect_vreg.gather [hbm4b:s6+s3], $0x80, v4, vm0, $0xb8;
	[tilespmem:$0x18080] =	vst v63  }
0x16e: {  	_ = 	snop  }
0x16f: {  	[tilespmem:s13], [sflag:$0x1] =	stream.indirect_vreg.gather [hbm4b:s1+s3], $0x80, v3, vm0, $0xb8;
	[tilespmem:$0x18080] =	vst v63  }
0x170: {  	_ = 	snop  }
0x171: {  	[tilespmem:s14], [sflag:$0x1] =	stream.indirect_vreg.gather [hbm4b:s5+s3], $0x80, v3, vm0, $0xb8;
	[tilespmem:$0x18080] =	vst v63  }
0x172: {  	_ = 	snop  }
0x173: {  	[tilespmem:s15], [sflag:$0x1] =	stream.indirect_vreg.gather [hbm4b:s6+s3], $0x80, v3, vm0, $0xb8;
	[tilespmem:$0x18080] =	vst v63  }
0x174: {  	v3 =	vld [tilespmem:$0x10];
	_ =	sdelay $0x4  }
0x175: {  	v57 =	vshrl.u32 v3, $0x3  }
0x176: {  	v4 =	vmul.u32 $0x30, v57  }
0x177: {  	v3 =	vand.u32 $0x7, v3  }
0x178: {  	v3 =	vor.u32 v3, v4  }
0x179: {  	v4 =	vperm.xlane v3, v0;
	_ =	sdelay $0x1  }
0x17a: {  	v4 =	vadd.s32 v1, v4;
	_ =	sdelay $0x3  }
0x17b: {  	v3 =	vperm.xlane v3, v2  }
0x17c: {  	[tilespmem:s16], [sflag:$0x1] =	stream.indirect_vreg.gather [hbm4b:s1+s3], $0x80, v4, vm0, $0xb8;
	[tilespmem:$0x18080] =	vst v63  }
0x17d: {  	v3 =	vadd.s32 v1, v3  }
0x17e: {  	[tilespmem:s17], [sflag:$0x1] =	stream.indirect_vreg.gather [hbm4b:s5+s3], $0x80, v4, vm0, $0xb8;
	[tilespmem:$0x18080] =	vst v63  }
0x17f: {  	_ = 	snop  }
0x180: {  	[tilespmem:s18], [sflag:$0x1] =	stream.indirect_vreg.gather [hbm4b:s6+s3], $0x80, v4, vm0, $0xb8;
	[tilespmem:$0x18080] =	vst v63  }
0x181: {  	_ = 	snop  }
0x182: {  	[tilespmem:s19], [sflag:$0x1] =	stream.indirect_vreg.gather [hbm4b:s1+s3], $0x80, v3, vm0, $0xb8;
	[tilespmem:$0x18080] =	vst v63  }
0x183: {  	_ = 	snop  }
0x184: {  	[tilespmem:s20], [sflag:$0x1] =	stream.indirect_vreg.gather [hbm4b:s5+s3], $0x80, v3, vm0, $0xb8;
	[tilespmem:$0x18080] =	vst v63  }
0x185: {  	_ = 	snop  }
0x186: {  	[tilespmem:s21], [sflag:$0x1] =	stream.indirect_vreg.gather [hbm4b:s6+s3], $0x80, v3, vm0, $0xb8;
	[tilespmem:$0x18080] =	vst v63  }
0x187: {  	v3 =	vld [tilespmem:$0x20];
	_ =	sdelay $0x4  }
0x188: {  	v58 =	vshrl.u32 v3, $0x3  }
0x189: {  	v4 =	vmul.u32 $0x30, v58  }
0x18a: {  	v3 =	vand.u32 $0x7, v3  }
0x18b: {  	v3 =	vor.u32 v3, v4  }
0x18c: {  	v4 =	vperm.xlane v3, v0;
	_ =	sdelay $0x1  }
0x18d: {  	v4 =	vadd.s32 v1, v4;
	_ =	sdelay $0x3  }
0x18e: {  	v3 =	vperm.xlane v3, v2  }
0x18f: {  	[tilespmem:s22], [sflag:$0x1] =	stream.indirect_vreg.gather [hbm4b:s1+s3], $0x80, v4, vm0, $0xb8;
	[tilespmem:$0x18080] =	vst v63  }
0x190: {  	v3 =	vadd.s32 v1, v3  }
0x191: {  	[tilespmem:s23], [sflag:$0x1] =	stream.indirect_vreg.gather [hbm4b:s5+s3], $0x80, v4, vm0, $0xb8;
	[tilespmem:$0x18080] =	vst v63  }
0x192: {  	_ = 	snop  }
0x193: {  	[tilespmem:s24], [sflag:$0x1] =	stream.indirect_vreg.gather [hbm4b:s6+s3], $0x80, v4, vm0, $0xb8;
	[tilespmem:$0x18080] =	vst v63  }
0x194: {  	_ = 	snop  }
0x195: {  	[tilespmem:s25], [sflag:$0x1] =	stream.indirect_vreg.gather [hbm4b:s1+s3], $0x80, v3, vm0, $0xb8;
	[tilespmem:$0x18080] =	vst v63  }
0x196: {  	_ = 	snop  }
0x197: {  	[tilespmem:s26], [sflag:$0x1] =	stream.indirect_vreg.gather [hbm4b:s5+s3], $0x80, v3, vm0, $0xb8;
	[tilespmem:$0x18080] =	vst v63  }
0x198: {  	_ = 	snop  }
0x199: {  	[tilespmem:s28], [sflag:$0x1] =	stream.indirect_vreg.gather [hbm4b:s6+s3], $0x80, v3, vm0, $0xb8;
	[tilespmem:$0x18080] =	vst v63  }
0x19a: {  	v3 =	vld [tilespmem:$0x30];
	_ =	sdelay $0x4  }
0x19b: {  	v59 =	vshrl.u32 v3, $0x3  }
0x19c: {  	v4 =	vmul.u32 $0x30, v59  }
0x19d: {  	v3 =	vand.u32 $0x7, v3  }
0x19e: {  	v3 =	vor.u32 v3, v4  }
0x19f: {  	v4 =	vperm.xlane v3, v0;
	_ =	sdelay $0x1  }
0x1a0: {  	v4 =	vadd.s32 v1, v4;
	_ =	sdelay $0x3  }
0x1a1: {  	v3 =	vperm.xlane v3, v2  }
0x1a2: {  	[tilespmem:s29], [sflag:$0x1] =	stream.indirect_vreg.gather [hbm4b:s1+s3], $0x80, v4, vm0, $0xb8;
	[tilespmem:$0x18080] =	vst v63  }
0x1a3: {  	v3 =	vadd.s32 v1, v3  }
0x1a4: {  	[tilespmem:s30], [sflag:$0x1] =	stream.indirect_vreg.gather [hbm4b:s5+s3], $0x80, v4, vm0, $0xb8;
	[tilespmem:$0x18080] =	vst v63  }
0x1a5: {  	_ = 	snop  }
0x1a6: {  	[tilespmem:s31], [sflag:$0x1] =	stream.indirect_vreg.gather [hbm4b:s6+s3], $0x80, v4, vm0, $0xb8;
	[tilespmem:$0x18080] =	vst v63  }
0x1a7: {  	_ = 	snop  }
0x1a8: {  	[tilespmem:s2], [sflag:$0x1] =	stream.indirect_vreg.gather [hbm4b:s1+s3], $0x80, v3, vm0, $0xb8;
	[tilespmem:$0x18080] =	vst v63  }
0x1a9: {  	s10 =	simm.s32 $0xB080  }
0x1aa: {  	[tilespmem:s10], [sflag:$0x1] =	stream.indirect_vreg.gather [hbm4b:s5+s3], $0x80, v3, vm0, $0xb8;
	[tilespmem:$0x18080] =	vst v63  }
0x1ab: {  	_ = 	snop  }
0x1ac: {  	[tilespmem:s9], [sflag:$0x1] =	stream.indirect_vreg.gather [hbm4b:s6+s3], $0x80, v3, vm0, $0xb8;
	[tilespmem:$0x18080] =	vst v63  }
0x1ad: {  	v3 =	vld [tilespmem:$0x40];
	_ =	sdelay $0x4  }
0x1ae: {  	v60 =	vshrl.u32 v3, $0x3  }
0x1af: {  	v4 =	vmul.u32 $0x30, v60  }
0x1b0: {  	v3 =	vand.u32 $0x7, v3  }
0x1b1: {  	v3 =	vor.u32 v3, v4  }
0x1b2: {  	v4 =	vperm.xlane v3, v0;
	_ =	sdelay $0x1  }
0x1b3: {  	v4 =	vadd.s32 v1, v4;
	_ =	sdelay $0x3  }
0x1b4: {  	s9 =	simm.s32 $0xC080;
	v3 =	vperm.xlane v3, v2  }
0x1b5: {  	[tilespmem:s9], [sflag:$0x1] =	stream.indirect_vreg.gather [hbm4b:s1+s3], $0x80, v4, vm0, $0xb8;
	[tilespmem:$0x18080] =	vst v63  }
0x1b6: {  	s10 =	simm.s32 $0xC880;
	v3 =	vadd.s32 v1, v3  }
0x1b7: {  	[tilespmem:s10], [sflag:$0x1] =	stream.indirect_vreg.gather [hbm4b:s5+s3], $0x80, v4, vm0, $0xb8;
	[tilespmem:$0x18080] =	vst v63  }
0x1b8: {  	s9 =	simm.s32 $0xD080  }
0x1b9: {  	[tilespmem:s9], [sflag:$0x1] =	stream.indirect_vreg.gather [hbm4b:s6+s3], $0x80, v4, vm0, $0xb8;
	[tilespmem:$0x18080] =	vst v63  }
0x1ba: {  	s10 =	simm.s32 $0xD880  }
0x1bb: {  	[tilespmem:s10], [sflag:$0x1] =	stream.indirect_vreg.gather [hbm4b:s1+s3], $0x80, v3, vm0, $0xb8;
	[tilespmem:$0x18080] =	vst v63  }
0x1bc: {  	s9 =	simm.s32 $0xE080  }
0x1bd: {  	[tilespmem:s9], [sflag:$0x1] =	stream.indirect_vreg.gather [hbm4b:s5+s3], $0x80, v3, vm0, $0xb8;
	[tilespmem:$0x18080] =	vst v63  }
0x1be: {  	s10 =	simm.s32 $0xE880  }
0x1bf: {  	[tilespmem:s10], [sflag:$0x1] =	stream.indirect_vreg.gather [hbm4b:s6+s3], $0x80, v3, vm0, $0xb8;
	[tilespmem:$0x18080] =	vst v63  }
0x1c0: {  	v3 =	vld [tilespmem:$0x50];
	_ =	sdelay $0x4  }
0x1c1: {  	v61 =	vshrl.u32 v3, $0x3  }
0x1c2: {  	v4 =	vmul.u32 $0x30, v61  }
0x1c3: {  	v3 =	vand.u32 $0x7, v3  }
0x1c4: {  	v3 =	vor.u32 v3, v4  }
0x1c5: {  	v4 =	vperm.xlane v3, v0;
	_ =	sdelay $0x1  }
0x1c6: {  	v4 =	vadd.s32 v1, v4;
	_ =	sdelay $0x3  }
0x1c7: {  	s9 =	simm.s32 $0xF080;
	v3 =	vperm.xlane v3, v2  }
0x1c8: {  	[tilespmem:s9], [sflag:$0x1] =	stream.indirect_vreg.gather [hbm4b:s1+s3], $0x80, v4, vm0, $0xb8;
	[tilespmem:$0x18080] =	vst v63  }
0x1c9: {  	s10 =	simm.s32 $0xF880;
	v3 =	vadd.s32 v1, v3  }
0x1ca: {  	[tilespmem:s10], [sflag:$0x1] =	stream.indirect_vreg.gather [hbm4b:s5+s3], $0x80, v4, vm0, $0xb8;
	[tilespmem:$0x18080] =	vst v63  }
0x1cb: {  	s9 =	simm.s32 $0x10080  }
0x1cc: {  	[tilespmem:s9], [sflag:$0x1] =	stream.indirect_vreg.gather [hbm4b:s6+s3], $0x80, v4, vm0, $0xb8;
	[tilespmem:$0x18080] =	vst v63  }
0x1cd: {  	s10 =	simm.s32 $0x10880  }
0x1ce: {  	[tilespmem:s10], [sflag:$0x1] =	stream.indirect_vreg.gather [hbm4b:s1+s3], $0x80, v3, vm0, $0xb8;
	[tilespmem:$0x18080] =	vst v63  }
0x1cf: {  	s9 =	simm.s32 $0x11080  }
0x1d0: {  	[tilespmem:s9], [sflag:$0x1] =	stream.indirect_vreg.gather [hbm4b:s5+s3], $0x80, v3, vm0, $0xb8;
	[tilespmem:$0x18080] =	vst v63  }
0x1d1: {  	s10 =	simm.s32 $0x11880  }
0x1d2: {  	[tilespmem:s10], [sflag:$0x1] =	stream.indirect_vreg.gather [hbm4b:s6+s3], $0x80, v3, vm0, $0xb8;
	[tilespmem:$0x18080] =	vst v63  }
0x1d3: {  	v3 =	vld [tilespmem:$0x60];
	_ =	sdelay $0x4  }
0x1d4: {  	v62 =	vshrl.u32 v3, $0x3  }
0x1d5: {  	v4 =	vmul.u32 $0x30, v62  }
0x1d6: {  	v3 =	vand.u32 $0x7, v3  }
0x1d7: {  	v3 =	vor.u32 v3, v4  }
0x1d8: {  	v4 =	vperm.xlane v3, v0;
	_ =	sdelay $0x1  }
0x1d9: {  	v4 =	vadd.s32 v1, v4;
	_ =	sdelay $0x3  }
0x1da: {  	s9 =	simm.s32 $0x12080;
	v3 =	vperm.xlane v3, v2  }
0x1db: {  	[tilespmem:s9], [sflag:$0x1] =	stream.indirect_vreg.gather [hbm4b:s1+s3], $0x80, v4, vm0, $0xb8;
	[tilespmem:$0x18080] =	vst v63  }
0x1dc: {  	s10 =	simm.s32 $0x12880;
	v3 =	vadd.s32 v1, v3  }
0x1dd: {  	[tilespmem:s10], [sflag:$0x1] =	stream.indirect_vreg.gather [hbm4b:s5+s3], $0x80, v4, vm0, $0xb8;
	[tilespmem:$0x18080] =	vst v63  }
0x1de: {  	s9 =	simm.s32 $0x13080  }
0x1df: {  	[tilespmem:s9], [sflag:$0x1] =	stream.indirect_vreg.gather [hbm4b:s6+s3], $0x80, v4, vm0, $0xb8;
	[tilespmem:$0x18080] =	vst v63  }
0x1e0: {  	s10 =	simm.s32 $0x13880  }
0x1e1: {  	[tilespmem:s10], [sflag:$0x1] =	stream.indirect_vreg.gather [hbm4b:s1+s3], $0x80, v3, vm0, $0xb8;
	[tilespmem:$0x18080] =	vst v63  }
0x1e2: {  	s9 =	simm.s32 $0x14080  }
0x1e3: {  	[tilespmem:s9], [sflag:$0x1] =	stream.indirect_vreg.gather [hbm4b:s5+s3], $0x80, v3, vm0, $0xb8;
	[tilespmem:$0x18080] =	vst v63  }
0x1e4: {  	s10 =	simm.s32 $0x14880  }
0x1e5: {  	[tilespmem:s10], [sflag:$0x1] =	stream.indirect_vreg.gather [hbm4b:s6+s3], $0x80, v3, vm0, $0xb8;
	[tilespmem:$0x18080] =	vst v63  }
0x1e6: {  	v3 =	vld [tilespmem:$0x70];
	_ =	sdelay $0x4  }
0x1e7: {  	v63 =	vshrl.u32 v3, $0x3  }
0x1e8: {  	v4 =	vmul.u32 $0x30, v63  }
0x1e9: {  	v3 =	vand.u32 $0x7, v3  }
0x1ea: {  	v3 =	vor.u32 v3, v4  }
0x1eb: {  	v4 =	vperm.xlane v3, v0;
	_ =	sdelay $0x1  }
0x1ec: {  	v4 =	vadd.s32 v1, v4;
	_ =	sdelay $0x3  }
0x1ed: {  	s9 =	simm.s32 $0x15080;
	v3 =	vperm.xlane v3, v2  }
0x1ee: {  	[tilespmem:s9], [sflag:$0x1] =	stream.indirect_vreg.gather [hbm4b:s1+s3], $0x80, v4, vm0, $0xb8;
	[tilespmem:$0x18080] =	vst v63  }
0x1ef: {  	s10 =	simm.s32 $0x15880;
	v3 =	vadd.s32 v1, v3  }
0x1f0: {  	[tilespmem:s10], [sflag:$0x1] =	stream.indirect_vreg.gather [hbm4b:s5+s3], $0x80, v4, vm0, $0xb8;
	[tilespmem:$0x18080] =	vst v63  }
0x1f1: {  	s9 =	simm.s32 $0x16080  }
0x1f2: {  	[tilespmem:s9], [sflag:$0x1] =	stream.indirect_vreg.gather [hbm4b:s6+s3], $0x80, v4, vm0, $0xb8;
	[tilespmem:$0x18080] =	vst v63  }
0x1f3: {  	s10 =	simm.s32 $0x16880  }
0x1f4: {  	[tilespmem:s10], [sflag:$0x1] =	stream.indirect_vreg.gather [hbm4b:s1+s3], $0x80, v3, vm0, $0xb8;
	[tilespmem:$0x18080] =	vst v63  }
0x1f5: {  	s9 =	simm.s32 $0x17080  }
0x1f6: {  	[tilespmem:s9], [sflag:$0x1] =	stream.indirect_vreg.gather [hbm4b:s5+s3], $0x80, v3, vm0, $0xb8;
	[tilespmem:$0x18080] =	vst v63  }
0x1f7: {  	s10 =	simm.s32 $0x17880  }
0x1f8: {  	[tilespmem:s10], [sflag:$0x1] =	stream.indirect_vreg.gather [hbm4b:s6+s3], $0x80, v3, vm0, $0xb8;
	[tilespmem:$0x18080] =	vst v63  }
0x1f9: {  	_ =	swait.ge [sflag:s4], $0x18000  }
0x1fa: {  	p0 =	sne.s32 s7, $0x1;
	[sflag:s4] =	ssyncset.done $0x0  }
.Ltmp0:
0x1fb: {  	s9 =	rddreg [dreg:$0xa];
	[sflag:s4] =	ssyncadd.s32 $0xFFFE8000;
	(pc) =	sbr.rel @p0 .LBB2_1-.Ltmp0, $4  }
0x1fc: {  	[hbm4b:s9+s3] =	stream.linear.scatter [tilespmem:s0], [sflag:$0x2], $0x18000, $0x38;
	[tilespmem:$0x18080] =	vst v63  }
0x1fd: {  	_ =	swait.ge [sflag:s8], $0x18000  }
0x1fe: {  	[sflag:s8] =	ssyncset.done $0x0  }
0x1ff: {  	s7 =	sadd.s32 $0xFFFFFFFF, s7;
	[sflag:s8] =	ssyncadd.s32 $0xFFFE8000  }
0x200: {  	_ =	sfence.sel $0x180000  }
0x201: {  	[bflag:$0x0] =	sbarrier.arrive $0xFFFF  }
0x202: {  	_ =	strace $0x90000047  }
0x203: {  	s0 =	stileid.u32;
	[bflag:$0x2] =	sbarrier.arrive $0xFFFF  }
0x204: {  	p0 =	sne.s32 s0, $0x0;
	s0 =	rddreg [dreg:$0x5]  }
0x205: {  	s0 =	sadd.s32 @!p0 $0x100000, s0  }
0x206: {  	[sflag:s0] =	ssyncadd.tile.s32 @!p0 $0x1;
	_ =	shalt  }
.Lfunc_end2:
_tile_overlayer_lowered:
.L_overlay_start_2:
0x207: {  	(tag) =	ssettag $0x2  }
0x208: {  	s0 =	rddreg [dreg:$0x0];
	s2 =	stileid.u32  }
0x209: {  	s1 =	rddreg [dreg:$0x1];
	p0 =	sne.s32 s2, $0x0  }
0x20a: {  	s3 =	rddreg [dreg:$0x2];
	[bflag:$0x3] =	sbarrier.arrive $0xFFFF;
	s2 =	simm.s32 @!p0 $0x1C02  }
0x20b: {  	[timem:s3], [sflag:s2] =	dma.local @!p0 [hbm:s0], s1  }
0x20c: {  	s0 =	simm.s32 @!p0 $0x2  }
0x20d: {  	_ =	swait.ge @!p0 [sflag:s0], s1  }
0x20e: {  	s1 =	ssub.s32 @!p0 $0x0, s1;
	[sflag:s0] =	ssyncset.done @!p0 $0x0  }
0x20f: {  	[sflag:s0] =	ssyncadd.s32 @!p0 s1  }
0x210: {  	[bflag:$0x3] =	sbarrier.arrive $0xFFFF  }
0x211: {  	_ =	shalt  }

</sc_bundles>
